<compile_context>
chip_gen: v7x
topology: tpu7x:2x2x1
jax: 0.10.2.dev20260603
libtpu: 0.0.44.dev20260713+nightly
codegen_flags: <defaults>
</compile_context>

<pallas_src>
import jax
import jax.numpy as jnp
from jax import lax
from jax.experimental import pallas as pl
from jax.experimental.pallas import tpu as pltpu
from jax.experimental.pallas import tpu_sc as plsc

N = 10000
E = 320000
D = 128

NC = 2
NS = 16
NW = NC * NS

K = 128
CH_TOT = E // K
CB = CH_TOT // NW
XTRA = CH_TOT - CB * NW
PAIRS = (CB - 2) // 2
N_PAD = 10240
R_T = N_PAD // NS

_mesh = plsc.VectorSubcoreMesh(core_axis_name="c", subcore_axis_name="s")


def _fill(ref, n, val, dtype):
    v = jnp.full((16,), val, dtype=dtype)

    def body(i, _):
        ref[pl.ds(i * 16, 16)] = v
        return 0

    lax.fori_loop(0, n // 16, body, 0)


def _fill2d(ref, rows, cols, val, dtype):
    v = jnp.full((16,), val, dtype=dtype)

    def body(i, _):
        r = i // (cols // 16)
        c = (i % (cols // 16)) * 16
        ref[r, pl.ds(c, 16)] = v
        return 0

    lax.fori_loop(0, rows * (cols // 16), body, 0)


def _tile_range(wid):
    start = CB * wid + jnp.minimum(wid, XTRA)
    n = jnp.where(wid < XTRA, CB + 1, CB)
    return start, n


def _deg_body(dst_hbm, out_hbm, didx_all, ones_v, buf_v, sem, deg_sh):
    cid = lax.axis_index("c")
    sid = lax.axis_index("s")
    wid = cid * NS + sid
    start, n = _tile_range(wid)

    _fill(ones_v, K, 1.0, jnp.float32)
    _fill(buf_v, R_T, 0.0, jnp.float32)
    pltpu.sync_copy(dst_hbm.at[pl.ds(start, CB)], didx_all.at[pl.ds(0, CB)])
    last = jnp.minimum(start + CB, CH_TOT - 1)
    pltpu.sync_copy(dst_hbm.at[pl.ds(last, 1)], didx_all.at[pl.ds(CB, 1)])
    pltpu.sync_copy(buf_v, deg_sh.at[pl.ds(sid * R_T, R_T)])
    plsc.subcore_barrier()

    def fire(i, _):
        pltpu.async_copy(ones_v, deg_sh.at[didx_all.at[i, 0]], sem, add=True)
        return 0

    def drain(i, _):
        pltpu.make_async_copy(ones_v, deg_sh.at[didx_all.at[i, 0]], sem).wait()
        return 0

    lax.fori_loop(0, n, fire, 0)
    lax.fori_loop(0, n, drain, 0)

    plsc.subcore_barrier()
    pltpu.sync_copy(deg_sh.at[pl.ds(sid * R_T, R_T)],
                    out_hbm.at[cid, pl.ds(sid * R_T, R_T)])


_deg_call = pl.kernel(
    _deg_body,
    out_type=jax.ShapeDtypeStruct((NC, N_PAD), jnp.float32),
    mesh=_mesh,
    scratch_types=[
        pltpu.VMEM((CB + 1, 1, K), jnp.int32),
        pltpu.VMEM((K,), jnp.float32),
        pltpu.VMEM((R_T,), jnp.float32),
        pltpu.SemaphoreType.DMA,
        pltpu.VMEM_SHARED((N_PAD,), jnp.float32),
    ],
)


def _agg_body(src_hbm, dst_hbm, y_hbm, out_hbm, sidx, didx,
              rows_a, rows_b, sem_a, sem_b, sem_i, acc_sh):
    cid = lax.axis_index("c")
    sid = lax.axis_index("s")
    wid = cid * NS + sid
    start, n = _tile_range(wid)
    n79 = n > CB

    _fill2d(rows_a, K, D, 0.0, jnp.float32)
    for j in range(R_T // K):
        pltpu.async_copy(rows_a, acc_sh.at[pl.ds(sid * R_T + j * K, K)],
                         sem_i)
    for j in range(R_T // K):
        pltpu.make_async_copy(rows_a,
                              acc_sh.at[pl.ds(sid * R_T + j * K, K)],
                              sem_i).wait()
    plsc.subcore_barrier()

    def idx_row(c):
        return jnp.minimum(start + c, CH_TOT - 1)

    def stage_sync(c):
        sl = lax.rem(c, 4)
        pltpu.sync_copy(src_hbm.at[idx_row(c)], sidx.at[pl.ds(sl, 1)])
        pltpu.sync_copy(dst_hbm.at[idx_row(c)], didx.at[pl.ds(sl, 1)])

    def stage_async(c):
        sl = lax.rem(c, 4)
        pltpu.async_copy(src_hbm.at[idx_row(c)], sidx.at[pl.ds(sl, 1)],
                         sem_i)
        pltpu.async_copy(dst_hbm.at[idx_row(c)], didx.at[pl.ds(sl, 1)],
                         sem_i)

    def stage_drain(c):
        sl = lax.rem(c, 4)
        pltpu.make_async_copy(src_hbm.at[idx_row(c)],
                              sidx.at[pl.ds(sl, 1)], sem_i).wait()
        pltpu.make_async_copy(dst_hbm.at[idx_row(c)],
                              didx.at[pl.ds(sl, 1)], sem_i).wait()

    def g_start(c, buf, sem):
        pltpu.async_copy(y_hbm.at[sidx.at[lax.rem(c, 4)]], buf, sem)

    def g_wait(c, buf, sem):
        pltpu.make_async_copy(y_hbm.at[sidx.at[lax.rem(c, 4)]], buf,
                              sem).wait()

    def scat(c, buf):
        pltpu.sync_copy(buf, acc_sh.at[didx.at[lax.rem(c, 4)]], add=True)

    for c in range(4):
        stage_sync(jnp.int32(c))
    g_start(jnp.int32(0), rows_a, sem_a)
    g_start(jnp.int32(1), rows_b, sem_b)

    def pair(i, _):
        c0 = 2 * i
        g_wait(c0, rows_a, sem_a)
        scat(c0, rows_a)
        g_start(c0 + 2, rows_a, sem_a)
        g_wait(c0 + 1, rows_b, sem_b)
        scat(c0 + 1, rows_b)
        g_start(c0 + 3, rows_b, sem_b)
        stage_async(c0 + 4)
        stage_async(c0 + 5)
        stage_drain(c0 + 4)
        stage_drain(c0 + 5)
        return 0

    lax.fori_loop(0, PAIRS, pair, 0)

    cl = jnp.int32(2 * PAIRS)
    g_wait(cl, rows_a, sem_a)
    scat(cl, rows_a)

    @pl.when(n79)
    def _():
        g_start(cl + 2, rows_a, sem_a)

    g_wait(cl + 1, rows_b, sem_b)
    scat(cl + 1, rows_b)

    @pl.when(n79)
    def _():
        g_wait(cl + 2, rows_a, sem_a)
        scat(cl + 2, rows_a)

    plsc.subcore_barrier()
    pltpu.sync_copy(acc_sh.at[pl.ds(sid * R_T, R_T)],
                    out_hbm.at[cid, pl.ds(sid * R_T, R_T)])


_agg_call = pl.kernel(
    _agg_body,
    out_type=jax.ShapeDtypeStruct((NC, N_PAD, D), jnp.float32),
    mesh=_mesh,
    scratch_types=[
        pltpu.VMEM((4, K), jnp.int32),
        pltpu.VMEM((4, K), jnp.int32),
        pltpu.VMEM((K, D), jnp.float32),
        pltpu.VMEM((K, D), jnp.float32),
        pltpu.SemaphoreType.DMA,
        pltpu.SemaphoreType.DMA,
        pltpu.SemaphoreType.DMA,
        pltpu.VMEM_SHARED((N_PAD, D), jnp.float32),
    ],
)


def _prep_body(x_ref, w1_ref, degp_ref, y_ref, dinv_ref):
    deg = degp_ref[0:1, :] + degp_ref[1:2, :] + 1.0
    dinv_row = lax.rsqrt(deg)
    dinv_col = dinv_row.reshape(N_PAD, 1)[:N, :]
    xw = lax.dot_general(
        x_ref[...], w1_ref[...], (((1,), (1,)), ((), ())),
        preferred_element_type=jnp.float32)
    y_ref[...] = xw * dinv_col
    dinv_ref[...] = dinv_row


_prep_call = pl.pallas_call(
    _prep_body,
    out_shape=(
        jax.ShapeDtypeStruct((N, D), jnp.float32),
        jax.ShapeDtypeStruct((1, N_PAD), jnp.float32),
    ),
)


def _final_body(accp_ref, y_ref, dinv_ref, b1_ref, wl_ref, bl_ref,
                out_ref):
    dinv_col = dinv_ref[...].reshape(N_PAD, 1)[:N, :]
    agg = (accp_ref[0, pl.ds(0, N), :] + accp_ref[1, pl.ds(0, N), :]
           + y_ref[...])
    h = jnp.maximum(agg * dinv_col + b1_ref[...], 0.0)
    out_ref[...] = lax.dot_general(
        h, wl_ref[...], (((1,), (1,)), ((), ())),
        preferred_element_type=jnp.float32) + bl_ref[...]


_final_call = pl.pallas_call(
    _final_body,
    out_shape=jax.ShapeDtypeStruct((N, D), jnp.float32),
)


def kernel(x, edge_index, W1, b1, Wl, bl):
    e32 = edge_index.astype(jnp.int32)
    src3d = e32[0].reshape(CH_TOT, 1, K)
    dst3d = e32[1].reshape(CH_TOT, 1, K)

    degp = _deg_call(dst3d)
    y, dinv = _prep_call(x, W1, degp)
    accp = _agg_call(src3d, dst3d, y)
    out = _final_call(accp, y, dinv, b1[None, :], Wl, bl[None, :])
    return out

# --- scband reference (transcript-rebuilt; emitter-appended) ---
"""Pipeline reference for scband-encoder-8143257994004 (READ-ONLY COPY).

The authoritative reference and input builder live on the scoring server;
editing this copy changes nothing except your own understanding.
"""

import jax, jax.numpy as jnp
import numpy as np

N_NODES = 10000
N_EDGES = 320000
D = 128


def setup_inputs(seed: int = 0) -> dict:
    key = jax.random.key(seed)
    k1, k2, k3, k4, k5, k6 = jax.random.split(key, 6)
    x = jax.random.normal(k1, (N_NODES, D), dtype=jnp.float32)
    edge_index = jax.random.randint(k2, (2, N_EDGES), 0, N_NODES, dtype=jnp.int64)
    # GCNConv(in=128, out=128): weight [out, in], bias [out]
    W1 = jax.random.normal(k3, (D, D), dtype=jnp.float32) * (1.0 / jnp.sqrt(D))
    b1 = jnp.zeros((D,), dtype=jnp.float32)
    # final Linear(128 -> 128)
    Wl = jax.random.normal(k4, (D, D), dtype=jnp.float32) * (1.0 / jnp.sqrt(D))
    bl = jax.random.normal(k5, (D,), dtype=jnp.float32) * 0.01
    return {"x": x, "edge_index": edge_index, "W1": W1, "b1": b1, "Wl": Wl, "bl": bl}


def _gcn_conv(x, src, dst, W, b, num_nodes):
    # x' = D^{-1/2} (A + I) D^{-1/2} X W^T + b  (PyG GCNConv default)
    loop = jnp.arange(num_nodes, dtype=src.dtype)
    src_sl = jnp.concatenate([src, loop])
    dst_sl = jnp.concatenate([dst, loop])
    xw = x @ W.T
    deg = jnp.zeros((num_nodes,), dtype=x.dtype).at[dst_sl].add(1.0)
    dinv = jax.lax.rsqrt(deg)
    norm = dinv[src_sl] * dinv[dst_sl]
    msg = jnp.take(xw, src_sl, axis=0) * norm[:, None]
    out = jnp.zeros_like(xw).at[dst_sl].add(msg)
    return out + b


def reference(x, edge_index, W1, b1, Wl, bl):
    src = edge_index[0]
    dst = edge_index[1]
    h = _gcn_conv(x, src, dst, W1, b1, N_NODES)
    h = jax.nn.relu(h)
    out = h @ Wl.T + bl
    return out

if __name__ == "__main__":
    import jax
    _d = setup_inputs()
    print(jax.jit(kernel)(*tuple(_d.values())))

</pallas_src>

<mosaic_0001>
#map = affine_map<(d0, d1) -> (0, 0, 0)>
#map1 = affine_map<(d0, d1) -> (0, 0)>
module attributes {stable_mosaic.version = 14 : i64} {
  func.func @_deg_body(%arg0: i32, %arg1: i32, %arg2: memref<2500x1x128xi32, #tpu.memory_space<hbm>>, %arg3: memref<2x10240xf32, #tpu.memory_space<hbm>>, %arg4: memref<79x1x128xi32, #tpu.memory_space<vmem>>, %arg5: memref<128xf32, #tpu.memory_space<vmem>>, %arg6: memref<640xf32, #tpu.memory_space<vmem>>, %arg7: memref<!tpu.dma_semaphore, #tpu.memory_space<semaphore_mem>>, %arg8: memref<10240xf32, #tpu.memory_space<vmem_shared>>) attributes {dimension_semantics = [#tpu.dimension_semantics<core_parallel>, #tpu.dimension_semantics<subcore_parallel>], iteration_bounds = array<i64: 2, 16>, scalar_prefetch = 0 : i64, scratch_operands = 5 : i64, tpu.core_type = #tpu.core_type<sc_vector_subcore>, window_params = [{transform_indices = #map}, {transform_indices = #map1}]} {
    %mul3A = arith.constant 16 : i32
    %mul3A_0 = arith.muli %arg0, %mul3A : i32
    %add3A = arith.addi %mul3A_0, %arg1 : i32
    %mul3A_1 = arith.constant 78 : i32
    %mul3A_2 = arith.muli %mul3A_1, %add3A : i32
    %min3A = arith.constant 4 : i32
    %min3A_3 = arith.minsi %add3A, %min3A : i32
    %add3A_4 = arith.addi %mul3A_2, %min3A_3 : i32
    %lt3A = arith.constant 4 : i32
    %lt3A_5 = arith.cmpi slt, %add3A, %lt3A : i32
    %jit3A = arith.constant 79 : i32
    %jit3A_6 = arith.constant 78 : i32
    %select_n3A = arith.select %lt3A_5, %jit3A, %jit3A_6 : i32
    %broadcast_in_dim3A = arith.constant 1.000000e+00 : f32
    %broadcast_in_dim3A_7 = vector.broadcast %broadcast_in_dim3A : f32 to vector<16xf32>
    %scan3A = arith.constant 0 : i32
    %scan3A_8 = arith.constant 0 : i32
    %scan3A_9 = arith.constant 8 : i32
    %scan3A_10 = arith.addi %scan3A_8, %scan3A_9 : i32
    %scan3A_11 = arith.constant 1 : i32
    %scan3A_12 = scf.for %scan3A_57 = %scan3A_8 to %scan3A_10 step %scan3A_11 iter_args(%scan3A_58 = %scan3A) -> (i32)  : i32 {
      %mul3A_59 = arith.constant 16 : i32
      %mul3A_60 = arith.muli %scan3A_57, %mul3A_59 : i32
      %swap3A = arith.index_cast %mul3A_60 : i32 to index
      %swap3A_61 = tpu.vector_load %arg5[%swap3A] {strides = array<i32>} : memref<128xf32, #tpu.memory_space<vmem>>, vector<16xf32>,
      %swap3A_62 = vector.shape_cast %swap3A_61 : vector<16xf32> to vector<16xf32>
      %swap3A_63 = vector.shape_cast %broadcast_in_dim3A_7 : vector<16xf32> to vector<16xf32>
      tpu.vector_store %arg5[%swap3A], %swap3A_63 {strides = array<i32>} : memref<128xf32, #tpu.memory_space<vmem>>, vector<16xf32>,
      %scan3A_64 = arith.constant 0 : i32
      scf.yield %scan3A_64 : i32
    }
    %scan3A_13 = arith.constant 8 : i32
    %broadcast_in_dim3A_14 = arith.constant 0.000000e+00 : f32
    %broadcast_in_dim3A_15 = vector.broadcast %broadcast_in_dim3A_14 : f32 to vector<16xf32>
    %scan3A_16 = arith.constant 0 : i32
    %scan3A_17 = arith.constant 0 : i32
    %scan3A_18 = arith.constant 40 : i32
    %scan3A_19 = arith.addi %scan3A_17, %scan3A_18 : i32
    %scan3A_20 = arith.constant 1 : i32
    %scan3A_21 = scf.for %scan3A_57 = %scan3A_17 to %scan3A_19 step %scan3A_20 iter_args(%scan3A_58 = %scan3A_16) -> (i32)  : i32 {
      %mul3A_59 = arith.constant 16 : i32
      %mul3A_60 = arith.muli %scan3A_57, %mul3A_59 : i32
      %swap3A = arith.index_cast %mul3A_60 : i32 to index
      %swap3A_61 = tpu.vector_load %arg6[%swap3A] {strides = array<i32>} : memref<640xf32, #tpu.memory_space<vmem>>, vector<16xf32>,
      %swap3A_62 = vector.shape_cast %swap3A_61 : vector<16xf32> to vector<16xf32>
      %swap3A_63 = vector.shape_cast %broadcast_in_dim3A_15 : vector<16xf32> to vector<16xf32>
      tpu.vector_store %arg6[%swap3A], %swap3A_63 {strides = array<i32>} : memref<640xf32, #tpu.memory_space<vmem>>, vector<16xf32>,
      %scan3A_64 = arith.constant 0 : i32
      scf.yield %scan3A_64 : i32
    }
    %scan3A_22 = arith.constant 40 : i32
    "tpu.region"() ({
      %run_scoped3A = tpu.sem_alloc : memref<!tpu.dma_semaphore, #tpu.memory_space<semaphore_mem>>
      %dma_start3A = arith.constant 0 : i32
      %dma_start3A_57 = arith.constant 0 : i32
      %dma_start3A_58 = arith.constant 0 : i32
      %dma_start3A_59 = tpu.memref_slice %arg4[%dma_start3A, %dma_start3A_57, %dma_start3A_58] : memref<79x1x128xi32, #tpu.memory_space<vmem>> -> memref<78x1x128xi32, #tpu.memory_space<vmem>>
      %dma_start3A_60 = arith.constant 0 : i32
      %dma_start3A_61 = arith.constant 0 : i32
      %dma_start3A_62 = tpu.memref_slice %arg2[%add3A_4, %dma_start3A_60, %dma_start3A_61] : memref<2500x1x128xi32, #tpu.memory_space<hbm>> -> memref<78x1x128xi32, #tpu.memory_space<hbm>>
      %dma_start3A_63 = arith.constant 0 : i32
      %dma_start3A_64 = arith.constant 0 : i32
      %dma_start3A_65 = arith.constant 0 : i32
      %dma_start3A_66 = tpu.memref_slice %arg4[%dma_start3A_63, %dma_start3A_64, %dma_start3A_65] : memref<79x1x128xi32, #tpu.memory_space<vmem>> -> memref<78x1x128xi32, #tpu.memory_space<vmem>>
      %dma_start3A_67 = arith.constant 0 : i32
      %dma_start3A_68 = arith.constant 0 : i32
      %dma_start3A_69 = tpu.memref_slice %arg2[%add3A_4, %dma_start3A_67, %dma_start3A_68] : memref<2500x1x128xi32, #tpu.memory_space<hbm>> -> memref<78x1x128xi32, #tpu.memory_space<hbm>>
      tpu.enqueue_dma source(%dma_start3A_69 : memref<78x1x128xi32, #tpu.memory_space<hbm>>) target(%dma_start3A_66 : memref<78x1x128xi32, #tpu.memory_space<vmem>>) target_semaphore(%run_scoped3A : memref<!tpu.dma_semaphore, #tpu.memory_space<semaphore_mem>>)
      %dma_wait3A = arith.constant 0 : i32
      %dma_wait3A_70 = arith.constant 0 : i32
      %dma_wait3A_71 = arith.constant 0 : i32
      %dma_wait3A_72 = tpu.memref_slice %arg4[%dma_wait3A, %dma_wait3A_70, %dma_wait3A_71] : memref<79x1x128xi32, #tpu.memory_space<vmem>> -> memref<78x1x128xi32, #tpu.memory_space<vmem>>
      %dma_wait3A_73 = arith.constant 0 : i32
      %dma_wait3A_74 = arith.constant 0 : i32
      %dma_wait3A_75 = tpu.memref_slice %arg2[%add3A_4, %dma_wait3A_73, %dma_wait3A_74] : memref<2500x1x128xi32, #tpu.memory_space<hbm>> -> memref<78x1x128xi32, #tpu.memory_space<hbm>>
      %dma_wait3A_76 = arith.constant 0 : i32
      %dma_wait3A_77 = arith.constant 0 : i32
      %dma_wait3A_78 = arith.constant 0 : i32
      %dma_wait3A_79 = tpu.memref_slice %arg4[%dma_wait3A_76, %dma_wait3A_77, %dma_wait3A_78] : memref<79x1x128xi32, #tpu.memory_space<vmem>> -> memref<78x1x128xi32, #tpu.memory_space<vmem>>
      %dma_wait3A_80 = arith.constant 0 : i32
      %dma_wait3A_81 = arith.constant 0 : i32
      %dma_wait3A_82 = tpu.memref_slice %arg2[%add3A_4, %dma_wait3A_80, %dma_wait3A_81] : memref<2500x1x128xi32, #tpu.memory_space<hbm>> -> memref<78x1x128xi32, #tpu.memory_space<hbm>>
      tpu.wait_dma2 semaphore(%run_scoped3A : memref<!tpu.dma_semaphore, #tpu.memory_space<semaphore_mem>>) src(%dma_wait3A_82 : memref<78x1x128xi32, #tpu.memory_space<hbm>>) dst(%dma_wait3A_79 : memref<78x1x128xi32, #tpu.memory_space<vmem>>)
      tpu.yield
    }) : () -> ()
    %add3A_23 = arith.constant 78 : i32
    %add3A_24 = arith.addi %add3A_4, %add3A_23 : i32
    %min3A_25 = arith.constant 2499 : i32
    %min3A_26 = arith.minsi %add3A_24, %min3A_25 : i32
    "tpu.region"() ({
      %run_scoped3A = tpu.sem_alloc : memref<!tpu.dma_semaphore, #tpu.memory_space<semaphore_mem>>
      %dma_start3A = arith.constant 78 : i32
      %dma_start3A_57 = arith.constant 0 : i32
      %dma_start3A_58 = arith.constant 0 : i32
      %dma_start3A_59 = tpu.memref_slice %arg4[%dma_start3A, %dma_start3A_57, %dma_start3A_58] : memref<79x1x128xi32, #tpu.memory_space<vmem>> -> memref<1x1x128xi32, #tpu.memory_space<vmem>>
      %dma_start3A_60 = arith.constant 0 : i32
      %dma_start3A_61 = arith.constant 0 : i32
      %dma_start3A_62 = tpu.memref_slice %arg2[%min3A_26, %dma_start3A_60, %dma_start3A_61] : memref<2500x1x128xi32, #tpu.memory_space<hbm>> -> memref<1x1x128xi32, #tpu.memory_space<hbm>>
      %dma_start3A_63 = arith.constant 78 : i32
      %dma_start3A_64 = arith.constant 0 : i32
      %dma_start3A_65 = arith.constant 0 : i32
      %dma_start3A_66 = tpu.memref_slice %arg4[%dma_start3A_63, %dma_start3A_64, %dma_start3A_65] : memref<79x1x128xi32, #tpu.memory_space<vmem>> -> memref<1x1x128xi32, #tpu.memory_space<vmem>>
      %dma_start3A_67 = arith.constant 0 : i32
      %dma_start3A_68 = arith.constant 0 : i32
      %dma_start3A_69 = tpu.memref_slice %arg2[%min3A_26, %dma_start3A_67, %dma_start3A_68] : memref<2500x1x128xi32, #tpu.memory_space<hbm>> -> memref<1x1x128xi32, #tpu.memory_space<hbm>>
      tpu.enqueue_dma source(%dma_start3A_69 : memref<1x1x128xi32, #tpu.memory_space<hbm>>) target(%dma_start3A_66 : memref<1x1x128xi32, #tpu.memory_space<vmem>>) target_semaphore(%run_scoped3A : memref<!tpu.dma_semaphore, #tpu.memory_space<semaphore_mem>>)
      %dma_wait3A = arith.constant 78 : i32
      %dma_wait3A_70 = arith.constant 0 : i32
      %dma_wait3A_71 = arith.constant 0 : i32
      %dma_wait3A_72 = tpu.memref_slice %arg4[%dma_wait3A, %dma_wait3A_70, %dma_wait3A_71] : memref<79x1x128xi32, #tpu.memory_space<vmem>> -> memref<1x1x128xi32, #tpu.memory_space<vmem>>
      %dma_wait3A_73 = arith.constant 0 : i32
      %dma_wait3A_74 = arith.constant 0 : i32
      %dma_wait3A_75 = tpu.memref_slice %arg2[%min3A_26, %dma_wait3A_73, %dma_wait3A_74] : memref<2500x1x128xi32, #tpu.memory_space<hbm>> -> memref<1x1x128xi32, #tpu.memory_space<hbm>>
      %dma_wait3A_76 = arith.constant 78 : i32
      %dma_wait3A_77 = arith.constant 0 : i32
      %dma_wait3A_78 = arith.constant 0 : i32
      %dma_wait3A_79 = tpu.memref_slice %arg4[%dma_wait3A_76, %dma_wait3A_77, %dma_wait3A_78] : memref<79x1x128xi32, #tpu.memory_space<vmem>> -> memref<1x1x128xi32, #tpu.memory_space<vmem>>
      %dma_wait3A_80 = arith.constant 0 : i32
      %dma_wait3A_81 = arith.constant 0 : i32
      %dma_wait3A_82 = tpu.memref_slice %arg2[%min3A_26, %dma_wait3A_80, %dma_wait3A_81] : memref<2500x1x128xi32, #tpu.memory_space<hbm>> -> memref<1x1x128xi32, #tpu.memory_space<hbm>>
      tpu.wait_dma2 semaphore(%run_scoped3A : memref<!tpu.dma_semaphore, #tpu.memory_space<semaphore_mem>>) src(%dma_wait3A_82 : memref<1x1x128xi32, #tpu.memory_space<hbm>>) dst(%dma_wait3A_79 : memref<1x1x128xi32, #tpu.memory_space<vmem>>)
      tpu.yield
    }) : () -> ()
    %mul3A_27 = arith.constant 640 : i32
    %mul3A_28 = arith.muli %arg1, %mul3A_27 : i32
    "tpu.region"() ({
      %run_scoped3A = tpu.sem_alloc : memref<!tpu.dma_semaphore, #tpu.memory_space<semaphore_mem>>
      %dma_start3A = tpu.memref_slice %arg8[%mul3A_28] : memref<10240xf32, #tpu.memory_space<vmem_shared>> -> memref<640xf32, #tpu.memory_space<vmem_shared>>
      %dma_start3A_57 = tpu.memref_slice %arg8[%mul3A_28] : memref<10240xf32, #tpu.memory_space<vmem_shared>> -> memref<640xf32, #tpu.memory_space<vmem_shared>>
      tpu.enqueue_dma source(%arg6 : memref<640xf32, #tpu.memory_space<vmem>>) target(%dma_start3A_57 : memref<640xf32, #tpu.memory_space<vmem_shared>>) target_semaphore(%run_scoped3A : memref<!tpu.dma_semaphore, #tpu.memory_space<semaphore_mem>>)
      %dma_wait3A = tpu.memref_slice %arg8[%mul3A_28] : memref<10240xf32, #tpu.memory_space<vmem_shared>> -> memref<640xf32, #tpu.memory_space<vmem_shared>>
      %dma_wait3A_58 = tpu.memref_slice %arg8[%mul3A_28] : memref<10240xf32, #tpu.memory_space<vmem_shared>> -> memref<640xf32, #tpu.memory_space<vmem_shared>>
      tpu.wait_dma2 semaphore(%run_scoped3A : memref<!tpu.dma_semaphore, #tpu.memory_space<semaphore_mem>>) src(%arg6 : memref<640xf32, #tpu.memory_space<vmem>>) dst(%dma_wait3A_58 : memref<640xf32, #tpu.memory_space<vmem_shared>>)
      tpu.yield
    }) : () -> ()
    %barrier3A = arith.constant 0 : index
    tpu.barrier barrier_id(%barrier3A)
    %while3A = arith.constant 0 : i32
    %while3A_29 = arith.constant 0 : i32
    %while3A_30 = arith.subi %select_n3A, %while3A : i32
    %while3A_31 = arith.addi %while3A, %while3A_30 : i32
    %while3A_32 = arith.constant 1 : i32
    %while3A_33 = arith.divsi %while3A_30, %while3A_32 : i32
    %while3A_34 = arith.muli %while3A_33, %while3A_32 : i32
    %while3A_35 = arith.addi %while3A, %while3A_34 : i32
    %while3A_36 = arith.constant 1 : i32
    %while3A_37 = scf.for %while3A_57 = %while3A to %while3A_35 step %while3A_36 iter_args(%while3A_58 = %while3A_29) -> (i32)  : i32 {
      %dma_start3A = arith.constant 0 : i32
      %dma_start3A_59 = arith.constant 0 : i32
      %dma_start3A_60 = tpu.memref_slice %arg4[%while3A_57, %dma_start3A, %dma_start3A_59] : memref<79x1x128xi32, #tpu.memory_space<vmem>> -> memref<1x1x128xi32, #tpu.memory_space<vmem>>
      %dma_start3A_61 = tpu.memref_squeeze %dma_start3A_60 : memref<1x1x128xi32, #tpu.memory_space<vmem>> -> memref<128xi32, #tpu.memory_space<vmem>>
      %dma_start3A_62 = arith.constant 0 : i32
      %dma_start3A_63 = tpu.memref_slice %arg8[%dma_start3A_62] : memref<10240xf32, #tpu.memory_space<vmem_shared>> -> memref<10240xf32, #tpu.memory_space<vmem_shared>>
      tpu.enqueue_indirect_dma source(%arg5 : memref<128xf32, #tpu.memory_space<vmem>>) target(%dma_start3A_63 : memref<10240xf32, #tpu.memory_space<vmem_shared>>) offsets(%dma_start3A_61 : memref<128xi32, #tpu.memory_space<vmem>>) semaphore(%arg7 : memref<!tpu.dma_semaphore, #tpu.memory_space<semaphore_mem>>) {add = true}
      %while3A_64 = arith.constant 0 : i32
      scf.yield %while3A_64 : i32
    }
    %while3A_38 = arith.constant 1 : i32
    %while3A_39 = scf.for %while3A_57 = %while3A_35 to %while3A_31 step %while3A_38 iter_args(%while3A_58 = %while3A_37) -> (i32)  : i32 {
      %dma_start3A = arith.constant 0 : i32
      %dma_start3A_59 = arith.constant 0 : i32
      %dma_start3A_60 = tpu.memref_slice %arg4[%while3A_57, %dma_start3A, %dma_start3A_59] : memref<79x1x128xi32, #tpu.memory_space<vmem>> -> memref<1x1x128xi32, #tpu.memory_space<vmem>>
      %dma_start3A_61 = tpu.memref_squeeze %dma_start3A_60 : memref<1x1x128xi32, #tpu.memory_space<vmem>> -> memref<128xi32, #tpu.memory_space<vmem>>
      %dma_start3A_62 = arith.constant 0 : i32
      %dma_start3A_63 = tpu.memref_slice %arg8[%dma_start3A_62] : memref<10240xf32, #tpu.memory_space<vmem_shared>> -> memref<10240xf32, #tpu.memory_space<vmem_shared>>
      tpu.enqueue_indirect_dma source(%arg5 : memref<128xf32, #tpu.memory_space<vmem>>) target(%dma_start3A_63 : memref<10240xf32, #tpu.memory_space<vmem_shared>>) offsets(%dma_start3A_61 : memref<128xi32, #tpu.memory_space<vmem>>) semaphore(%arg7 : memref<!tpu.dma_semaphore, #tpu.memory_space<semaphore_mem>>) {add = true}
      %while3A_64 = arith.constant 0 : i32
      scf.yield %while3A_64 : i32
    }
    %while3A_40 = arith.constant 0 : i32
    %while3A_41 = arith.constant 0 : i32
    %while3A_42 = arith.subi %select_n3A, %while3A_40 : i32
    %while3A_43 = arith.addi %while3A_40, %while3A_42 : i32
    %while3A_44 = arith.constant 1 : i32
    %while3A_45 = arith.divsi %while3A_42, %while3A_44 : i32
    %while3A_46 = arith.muli %while3A_45, %while3A_44 : i32
    %while3A_47 = arith.addi %while3A_40, %while3A_46 : i32
    %while3A_48 = arith.constant 1 : i32
    %while3A_49 = scf.for %while3A_57 = %while3A_40 to %while3A_47 step %while3A_48 iter_args(%while3A_58 = %while3A_41) -> (i32)  : i32 {
      %dma_wait3A = arith.constant 0 : i32
      %dma_wait3A_59 = arith.constant 0 : i32
      %dma_wait3A_60 = tpu.memref_slice %arg4[%while3A_57, %dma_wait3A, %dma_wait3A_59] : memref<79x1x128xi32, #tpu.memory_space<vmem>> -> memref<1x1x128xi32, #tpu.memory_space<vmem>>
      %dma_wait3A_61 = tpu.memref_squeeze %dma_wait3A_60 : memref<1x1x128xi32, #tpu.memory_space<vmem>> -> memref<128xi32, #tpu.memory_space<vmem>>
      %dma_wait3A_62 = arith.constant 0 : i32
      %dma_wait3A_63 = tpu.memref_slice %arg8[%dma_wait3A_62] : memref<10240xf32, #tpu.memory_space<vmem_shared>> -> memref<10240xf32, #tpu.memory_space<vmem_shared>>
      tpu.wait_indirect_dma semaphore(%arg7 : memref<!tpu.dma_semaphore, #tpu.memory_space<semaphore_mem>>) src(%arg5 : memref<128xf32, #tpu.memory_space<vmem>>) dst(%dma_wait3A_63 : memref<10240xf32, #tpu.memory_space<vmem_shared>>)
      %while3A_64 = arith.constant 0 : i32
      scf.yield %while3A_64 : i32
    }
    %while3A_50 = arith.constant 1 : i32
    %while3A_51 = scf.for %while3A_57 = %while3A_47 to %while3A_43 step %while3A_50 iter_args(%while3A_58 = %while3A_49) -> (i32)  : i32 {
      %dma_wait3A = arith.constant 0 : i32
      %dma_wait3A_59 = arith.constant 0 : i32
      %dma_wait3A_60 = tpu.memref_slice %arg4[%while3A_57, %dma_wait3A, %dma_wait3A_59] : memref<79x1x128xi32, #tpu.memory_space<vmem>> -> memref<1x1x128xi32, #tpu.memory_space<vmem>>
      %dma_wait3A_61 = tpu.memref_squeeze %dma_wait3A_60 : memref<1x1x128xi32, #tpu.memory_space<vmem>> -> memref<128xi32, #tpu.memory_space<vmem>>
      %dma_wait3A_62 = arith.constant 0 : i32
      %dma_wait3A_63 = tpu.memref_slice %arg8[%dma_wait3A_62] : memref<10240xf32, #tpu.memory_space<vmem_shared>> -> memref<10240xf32, #tpu.memory_space<vmem_shared>>
      tpu.wait_indirect_dma semaphore(%arg7 : memref<!tpu.dma_semaphore, #tpu.memory_space<semaphore_mem>>) src(%arg5 : memref<128xf32, #tpu.memory_space<vmem>>) dst(%dma_wait3A_63 : memref<10240xf32, #tpu.memory_space<vmem_shared>>)
      %while3A_64 = arith.constant 0 : i32
      scf.yield %while3A_64 : i32
    }
    %barrier3A_52 = arith.constant 0 : index
    tpu.barrier barrier_id(%barrier3A_52)
    %mul3A_53 = arith.constant 640 : i32
    %mul3A_54 = arith.muli %arg1, %mul3A_53 : i32
    %mul3A_55 = arith.constant 640 : i32
    %mul3A_56 = arith.muli %arg1, %mul3A_55 : i32
    "tpu.region"() ({
      %run_scoped3A = tpu.sem_alloc : memref<!tpu.dma_semaphore, #tpu.memory_space<semaphore_mem>>
      %dma_start3A = tpu.memref_slice %arg3[%arg0, %mul3A_56] : memref<2x10240xf32, #tpu.memory_space<hbm>> -> memref<1x640xf32, #tpu.memory_space<hbm>>
      %dma_start3A_57 = tpu.memref_squeeze %dma_start3A : memref<1x640xf32, #tpu.memory_space<hbm>> -> memref<640xf32, #tpu.memory_space<hbm>>
      %dma_start3A_58 = tpu.memref_slice %arg8[%mul3A_54] : memref<10240xf32, #tpu.memory_space<vmem_shared>> -> memref<640xf32, #tpu.memory_space<vmem_shared>>
      tpu.enqueue_dma source(%dma_start3A_58 : memref<640xf32, #tpu.memory_space<vmem_shared>>) target(%dma_start3A_57 : memref<640xf32, #tpu.memory_space<hbm>>) target_semaphore(%run_scoped3A : memref<!tpu.dma_semaphore, #tpu.memory_space<semaphore_mem>>)
      %dma_wait3A = tpu.memref_slice %arg3[%arg0, %mul3A_56] : memref<2x10240xf32, #tpu.memory_space<hbm>> -> memref<1x640xf32, #tpu.memory_space<hbm>>
      %dma_wait3A_59 = tpu.memref_squeeze %dma_wait3A : memref<1x640xf32, #tpu.memory_space<hbm>> -> memref<640xf32, #tpu.memory_space<hbm>>
      %dma_wait3A_60 = tpu.memref_slice %arg8[%mul3A_54] : memref<10240xf32, #tpu.memory_space<vmem_shared>> -> memref<640xf32, #tpu.memory_space<vmem_shared>>
      tpu.wait_dma2 semaphore(%run_scoped3A : memref<!tpu.dma_semaphore, #tpu.memory_space<semaphore_mem>>) src(%dma_wait3A_60 : memref<640xf32, #tpu.memory_space<vmem_shared>>) dst(%dma_wait3A_59 : memref<640xf32, #tpu.memory_space<hbm>>)
      tpu.yield
    }) : () -> ()
    return
  }
}

#map = affine_map<(d0, d1) -> (0, 0, 0)>
#map1 = affine_map<(d0, d1) -> (0, 0)>
module attributes {stable_mosaic.version = 14 : i64} {
  func.func @_agg_body(%arg0: i32, %arg1: i32, %arg2: memref<2500x1x128xi32, #tpu.memory_space<hbm>>, %arg3: memref<2500x1x128xi32, #tpu.memory_space<hbm>>, %arg4: memref<10000x128xf32, #tpu.memory_space<hbm>>, %arg5: memref<2x10240x128xf32, #tpu.memory_space<hbm>>, %arg6: memref<4x128xi32, #tpu.memory_space<vmem>>, %arg7: memref<4x128xi32, #tpu.memory_space<vmem>>, %arg8: memref<128x128xf32, #tpu.memory_space<vmem>>, %arg9: memref<128x128xf32, #tpu.memory_space<vmem>>, %arg10: memref<!tpu.dma_semaphore, #tpu.memory_space<semaphore_mem>>, %arg11: memref<!tpu.dma_semaphore, #tpu.memory_space<semaphore_mem>>, %arg12: memref<!tpu.dma_semaphore, #tpu.memory_space<semaphore_mem>>, %arg13: memref<10240x128xf32, #tpu.memory_space<vmem_shared>>) attributes {dimension_semantics = [#tpu.dimension_semantics<core_parallel>, #tpu.dimension_semantics<subcore_parallel>], iteration_bounds = array<i64: 2, 16>, scalar_prefetch = 0 : i64, scratch_operands = 8 : i64, tpu.core_type = #tpu.core_type<sc_vector_subcore>, window_params = [{transform_indices = #map}, {transform_indices = #map}, {transform_indices = #map1}, {transform_indices = #map}]} {
    %mul3A = arith.constant 16 : i32
    %mul3A_0 = arith.muli %arg0, %mul3A : i32
    %add3A = arith.addi %mul3A_0, %arg1 : i32
    %mul3A_1 = arith.constant 78 : i32
    %mul3A_2 = arith.muli %mul3A_1, %add3A : i32
    %min3A = arith.constant 4 : i32
    %min3A_3 = arith.minsi %add3A, %min3A : i32
    %add3A_4 = arith.addi %mul3A_2, %min3A_3 : i32
    %lt3A = arith.constant 4 : i32
    %lt3A_5 = arith.cmpi slt, %add3A, %lt3A : i32
    %jit3A = arith.constant 79 : i32
    %jit3A_6 = arith.constant 78 : i32
    %select_n3A = arith.select %lt3A_5, %jit3A, %jit3A_6 : i32
    %gt3A = arith.constant 78 : i32
    %gt3A_7 = arith.cmpi sgt, %select_n3A, %gt3A : i32
    %broadcast_in_dim3A = arith.constant 0.000000e+00 : f32
    %broadcast_in_dim3A_8 = vector.broadcast %broadcast_in_dim3A : f32 to vector<16xf32>
    %scan3A = arith.constant 0 : i32
    %scan3A_9 = arith.constant 0 : i32
    %scan3A_10 = arith.constant 1024 : i32
    %scan3A_11 = arith.addi %scan3A_9, %scan3A_10 : i32
    %scan3A_12 = arith.constant 1 : i32
    %scan3A_13 = scf.for %scan3A_200 = %scan3A_9 to %scan3A_11 step %scan3A_12 iter_args(%scan3A_201 = %scan3A) -> (i32)  : i32 {
      %jit3A_202 = arith.constant 8 : i32
      %div3A = arith.divsi %scan3A_200, %jit3A_202 : i32
      %sign3A = arith.constant 0 : i32
      %sign3A_203 = arith.cmpi sgt, %scan3A_200, %sign3A : i32
      %sign3A_204 = arith.extui %sign3A_203 : i1 to i32
      %sign3A_205 = arith.constant 0 : i32
      %sign3A_206 = arith.cmpi slt, %scan3A_200, %sign3A_205 : i32
      %sign3A_207 = arith.extui %sign3A_206 : i1 to i32
      %sign3A_208 = arith.subi %sign3A_204, %sign3A_207 : i32
      %sign3A_209 = arith.constant 0 : i32
      %sign3A_210 = arith.cmpi sgt, %jit3A_202, %sign3A_209 : i32
      %sign3A_211 = arith.extui %sign3A_210 : i1 to i32
      %sign3A_212 = arith.constant 0 : i32
      %sign3A_213 = arith.cmpi slt, %jit3A_202, %sign3A_212 : i32
      %sign3A_214 = arith.extui %sign3A_213 : i1 to i32
      %sign3A_215 = arith.subi %sign3A_211, %sign3A_214 : i32
      %ne3A = arith.cmpi ne, %sign3A_208, %sign3A_215 : i32
      %rem3A_216 = arith.remsi %scan3A_200, %jit3A_202 : i32
      %ne3A_217 = arith.constant 0 : i32
      %ne3A_218 = arith.cmpi ne, %rem3A_216, %ne3A_217 : i32
      %and3A = arith.andi %ne3A, %ne3A_218 : i1
      %sub3A = arith.constant 1 : i32
      %sub3A_219 = arith.subi %div3A, %sub3A : i32
      %select_n3A_220 = arith.select %and3A, %sub3A_219, %div3A : i32
      %jit3A_221 = arith.constant 8 : i32
      %eq3A = arith.constant 0 : i32
      %eq3A_222 = arith.cmpi eq, %jit3A_221, %eq3A : i32
      %jit3A_223 = arith.constant 1 : i32
      %select_n3A_224 = arith.select %eq3A_222, %jit3A_223, %jit3A_221 : i32
      %rem3A_225 = arith.remsi %scan3A_200, %select_n3A_224 : i32
      %ne3A_226 = arith.constant 0 : i32
      %ne3A_227 = arith.cmpi ne, %rem3A_225, %ne3A_226 : i32
      %lt3A_228 = arith.constant 0 : i32
      %lt3A_229 = arith.cmpi slt, %rem3A_225, %lt3A_228 : i32
      %lt3A_230 = arith.constant 0 : i32
      %lt3A_231 = arith.cmpi slt, %select_n3A_224, %lt3A_230 : i32
      %ne3A_232 = arith.xori %lt3A_229, %lt3A_231 : i1
      %and3A_233 = arith.andi %ne3A_232, %ne3A_227 : i1
      %add3A_234 = arith.addi %rem3A_225, %select_n3A_224 : i32
      %select_n3A_235 = arith.select %and3A_233, %add3A_234, %rem3A_225 : i32
      %mul3A_236 = arith.constant 16 : i32
      %mul3A_237 = arith.muli %select_n3A_235, %mul3A_236 : i32
      %swap3A = arith.index_cast %select_n3A_220 : i32 to index
      %swap3A_238 = arith.index_cast %mul3A_237 : i32 to index
      %swap3A_239 = tpu.vector_load %arg8[%swap3A, %swap3A_238] {strides = array<i32>} : memref<128x128xf32, #tpu.memory_space<vmem>>, vector<1x16xf32>,
      %swap3A_240 = vector.shape_cast %swap3A_239 : vector<1x16xf32> to vector<16xf32>
      %swap3A_241 = vector.shape_cast %broadcast_in_dim3A_8 : vector<16xf32> to vector<1x16xf32>
      tpu.vector_store %arg8[%swap3A, %swap3A_238], %swap3A_241 {strides = array<i32>} : memref<128x128xf32, #tpu.memory_space<vmem>>, vector<1x16xf32>,
      %scan3A_242 = arith.constant 0 : i32
      scf.yield %scan3A_242 : i32
    }
    %scan3A_14 = arith.constant 1024 : i32
    %mul3A_15 = arith.constant 640 : i32
    %mul3A_16 = arith.muli %arg1, %mul3A_15 : i32
    %add3A_17 = arith.constant 0 : i32
    %add3A_18 = arith.addi %mul3A_16, %add3A_17 : i32
    %dma_start3A = arith.constant 0 : i32
    %dma_start3A_19 = tpu.memref_slice %arg13[%add3A_18, %dma_start3A] : memref<10240x128xf32, #tpu.memory_space<vmem_shared>> -> memref<128x128xf32, #tpu.memory_space<vmem_shared>>
    %dma_start3A_20 = arith.constant 0 : i32
    %dma_start3A_21 = tpu.memref_slice %arg13[%add3A_18, %dma_start3A_20] : memref<10240x128xf32, #tpu.memory_space<vmem_shared>> -> memref<128x128xf32, #tpu.memory_space<vmem_shared>>
    tpu.enqueue_dma source(%arg8 : memref<128x128xf32, #tpu.memory_space<vmem>>) target(%dma_start3A_21 : memref<128x128xf32, #tpu.memory_space<vmem_shared>>) target_semaphore(%arg12 : memref<!tpu.dma_semaphore, #tpu.memory_space<semaphore_mem>>)
    %mul3A_22 = arith.constant 640 : i32
    %mul3A_23 = arith.muli %arg1, %mul3A_22 : i32
    %add3A_24 = arith.constant 128 : i32
    %add3A_25 = arith.addi %mul3A_23, %add3A_24 : i32
    %dma_start3A_26 = arith.constant 0 : i32
    %dma_start3A_27 = tpu.memref_slice %arg13[%add3A_25, %dma_start3A_26] : memref<10240x128xf32, #tpu.memory_space<vmem_shared>> -> memref<128x128xf32, #tpu.memory_space<vmem_shared>>
    %dma_start3A_28 = arith.constant 0 : i32
    %dma_start3A_29 = tpu.memref_slice %arg13[%add3A_25, %dma_start3A_28] : memref<10240x128xf32, #tpu.memory_space<vmem_shared>> -> memref<128x128xf32, #tpu.memory_space<vmem_shared>>
    tpu.enqueue_dma source(%arg8 : memref<128x128xf32, #tpu.memory_space<vmem>>) target(%dma_start3A_29 : memref<128x128xf32, #tpu.memory_space<vmem_shared>>) target_semaphore(%arg12 : memref<!tpu.dma_semaphore, #tpu.memory_space<semaphore_mem>>)
    %mul3A_30 = arith.constant 640 : i32
    %mul3A_31 = arith.muli %arg1, %mul3A_30 : i32
    %add3A_32 = arith.constant 256 : i32
    %add3A_33 = arith.addi %mul3A_31, %add3A_32 : i32
    %dma_start3A_34 = arith.constant 0 : i32
    %dma_start3A_35 = tpu.memref_slice %arg13[%add3A_33, %dma_start3A_34] : memref<10240x128xf32, #tpu.memory_space<vmem_shared>> -> memref<128x128xf32, #tpu.memory_space<vmem_shared>>
    %dma_start3A_36 = arith.constant 0 : i32
    %dma_start3A_37 = tpu.memref_slice %arg13[%add3A_33, %dma_start3A_36] : memref<10240x128xf32, #tpu.memory_space<vmem_shared>> -> memref<128x128xf32, #tpu.memory_space<vmem_shared>>
    tpu.enqueue_dma source(%arg8 : memref<128x128xf32, #tpu.memory_space<vmem>>) target(%dma_start3A_37 : memref<128x128xf32, #tpu.memory_space<vmem_shared>>) target_semaphore(%arg12 : memref<!tpu.dma_semaphore, #tpu.memory_space<semaphore_mem>>)
    %mul3A_38 = arith.constant 640 : i32
    %mul3A_39 = arith.muli %arg1, %mul3A_38 : i32
    %add3A_40 = arith.constant 384 : i32
    %add3A_41 = arith.addi %mul3A_39, %add3A_40 : i32
    %dma_start3A_42 = arith.constant 0 : i32
    %dma_start3A_43 = tpu.memref_slice %arg13[%add3A_41, %dma_start3A_42] : memref<10240x128xf32, #tpu.memory_space<vmem_shared>> -> memref<128x128xf32, #tpu.memory_space<vmem_shared>>
    %dma_start3A_44 = arith.constant 0 : i32
    %dma_start3A_45 = tpu.memref_slice %arg13[%add3A_41, %dma_start3A_44] : memref<10240x128xf32, #tpu.memory_space<vmem_shared>> -> memref<128x128xf32, #tpu.memory_space<vmem_shared>>
    tpu.enqueue_dma source(%arg8 : memref<128x128xf32, #tpu.memory_space<vmem>>) target(%dma_start3A_45 : memref<128x128xf32, #tpu.memory_space<vmem_shared>>) target_semaphore(%arg12 : memref<!tpu.dma_semaphore, #tpu.memory_space<semaphore_mem>>)
    %mul3A_46 = arith.constant 640 : i32
    %mul3A_47 = arith.muli %arg1, %mul3A_46 : i32
    %add3A_48 = arith.constant 512 : i32
    %add3A_49 = arith.addi %mul3A_47, %add3A_48 : i32
    %dma_start3A_50 = arith.constant 0 : i32
    %dma_start3A_51 = tpu.memref_slice %arg13[%add3A_49, %dma_start3A_50] : memref<10240x128xf32, #tpu.memory_space<vmem_shared>> -> memref<128x128xf32, #tpu.memory_space<vmem_shared>>
    %dma_start3A_52 = arith.constant 0 : i32
    %dma_start3A_53 = tpu.memref_slice %arg13[%add3A_49, %dma_start3A_52] : memref<10240x128xf32, #tpu.memory_space<vmem_shared>> -> memref<128x128xf32, #tpu.memory_space<vmem_shared>>
    tpu.enqueue_dma source(%arg8 : memref<128x128xf32, #tpu.memory_space<vmem>>) target(%dma_start3A_53 : memref<128x128xf32, #tpu.memory_space<vmem_shared>>) target_semaphore(%arg12 : memref<!tpu.dma_semaphore, #tpu.memory_space<semaphore_mem>>)
    %mul3A_54 = arith.constant 640 : i32
    %mul3A_55 = arith.muli %arg1, %mul3A_54 : i32
    %add3A_56 = arith.constant 0 : i32
    %add3A_57 = arith.addi %mul3A_55, %add3A_56 : i32
    %dma_wait3A = arith.constant 0 : i32
    %dma_wait3A_58 = tpu.memref_slice %arg13[%add3A_57, %dma_wait3A] : memref<10240x128xf32, #tpu.memory_space<vmem_shared>> -> memref<128x128xf32, #tpu.memory_space<vmem_shared>>
    %dma_wait3A_59 = arith.constant 0 : i32
    %dma_wait3A_60 = tpu.memref_slice %arg13[%add3A_57, %dma_wait3A_59] : memref<10240x128xf32, #tpu.memory_space<vmem_shared>> -> memref<128x128xf32, #tpu.memory_space<vmem_shared>>
    tpu.wait_dma2 semaphore(%arg12 : memref<!tpu.dma_semaphore, #tpu.memory_space<semaphore_mem>>) src(%arg8 : memref<128x128xf32, #tpu.memory_space<vmem>>) dst(%dma_wait3A_60 : memref<128x128xf32, #tpu.memory_space<vmem_shared>>)
    %mul3A_61 = arith.constant 640 : i32
    %mul3A_62 = arith.muli %arg1, %mul3A_61 : i32
    %add3A_63 = arith.constant 128 : i32
    %add3A_64 = arith.addi %mul3A_62, %add3A_63 : i32
    %dma_wait3A_65 = arith.constant 0 : i32
    %dma_wait3A_66 = tpu.memref_slice %arg13[%add3A_64, %dma_wait3A_65] : memref<10240x128xf32, #tpu.memory_space<vmem_shared>> -> memref<128x128xf32, #tpu.memory_space<vmem_shared>>
    %dma_wait3A_67 = arith.constant 0 : i32
    %dma_wait3A_68 = tpu.memref_slice %arg13[%add3A_64, %dma_wait3A_67] : memref<10240x128xf32, #tpu.memory_space<vmem_shared>> -> memref<128x128xf32, #tpu.memory_space<vmem_shared>>
    tpu.wait_dma2 semaphore(%arg12 : memref<!tpu.dma_semaphore, #tpu.memory_space<semaphore_mem>>) src(%arg8 : memref<128x128xf32, #tpu.memory_space<vmem>>) dst(%dma_wait3A_68 : memref<128x128xf32, #tpu.memory_space<vmem_shared>>)
    %mul3A_69 = arith.constant 640 : i32
    %mul3A_70 = arith.muli %arg1, %mul3A_69 : i32
    %add3A_71 = arith.constant 256 : i32
    %add3A_72 = arith.addi %mul3A_70, %add3A_71 : i32
    %dma_wait3A_73 = arith.constant 0 : i32
    %dma_wait3A_74 = tpu.memref_slice %arg13[%add3A_72, %dma_wait3A_73] : memref<10240x128xf32, #tpu.memory_space<vmem_shared>> -> memref<128x128xf32, #tpu.memory_space<vmem_shared>>
    %dma_wait3A_75 = arith.constant 0 : i32
    %dma_wait3A_76 = tpu.memref_slice %arg13[%add3A_72, %dma_wait3A_75] : memref<10240x128xf32, #tpu.memory_space<vmem_shared>> -> memref<128x128xf32, #tpu.memory_space<vmem_shared>>
    tpu.wait_dma2 semaphore(%arg12 : memref<!tpu.dma_semaphore, #tpu.memory_space<semaphore_mem>>) src(%arg8 : memref<128x128xf32, #tpu.memory_space<vmem>>) dst(%dma_wait3A_76 : memref<128x128xf32, #tpu.memory_space<vmem_shared>>)
    %mul3A_77 = arith.constant 640 : i32
    %mul3A_78 = arith.muli %arg1, %mul3A_77 : i32
    %add3A_79 = arith.constant 384 : i32
    %add3A_80 = arith.addi %mul3A_78, %add3A_79 : i32
    %dma_wait3A_81 = arith.constant 0 : i32
    %dma_wait3A_82 = tpu.memref_slice %arg13[%add3A_80, %dma_wait3A_81] : memref<10240x128xf32, #tpu.memory_space<vmem_shared>> -> memref<128x128xf32, #tpu.memory_space<vmem_shared>>
    %dma_wait3A_83 = arith.constant 0 : i32
    %dma_wait3A_84 = tpu.memref_slice %arg13[%add3A_80, %dma_wait3A_83] : memref<10240x128xf32, #tpu.memory_space<vmem_shared>> -> memref<128x128xf32, #tpu.memory_space<vmem_shared>>
    tpu.wait_dma2 semaphore(%arg12 : memref<!tpu.dma_semaphore, #tpu.memory_space<semaphore_mem>>) src(%arg8 : memref<128x128xf32, #tpu.memory_space<vmem>>) dst(%dma_wait3A_84 : memref<128x128xf32, #tpu.memory_space<vmem_shared>>)
    %mul3A_85 = arith.constant 640 : i32
    %mul3A_86 = arith.muli %arg1, %mul3A_85 : i32
    %add3A_87 = arith.constant 512 : i32
    %add3A_88 = arith.addi %mul3A_86, %add3A_87 : i32
    %dma_wait3A_89 = arith.constant 0 : i32
    %dma_wait3A_90 = tpu.memref_slice %arg13[%add3A_88, %dma_wait3A_89] : memref<10240x128xf32, #tpu.memory_space<vmem_shared>> -> memref<128x128xf32, #tpu.memory_space<vmem_shared>>
    %dma_wait3A_91 = arith.constant 0 : i32
    %dma_wait3A_92 = tpu.memref_slice %arg13[%add3A_88, %dma_wait3A_91] : memref<10240x128xf32, #tpu.memory_space<vmem_shared>> -> memref<128x128xf32, #tpu.memory_space<vmem_shared>>
    tpu.wait_dma2 semaphore(%arg12 : memref<!tpu.dma_semaphore, #tpu.memory_space<semaphore_mem>>) src(%arg8 : memref<128x128xf32, #tpu.memory_space<vmem>>) dst(%dma_wait3A_92 : memref<128x128xf32, #tpu.memory_space<vmem_shared>>)
    %barrier3A = arith.constant 0 : index
    tpu.barrier barrier_id(%barrier3A)
    %rem3A = arith.constant 0 : i32
    %rem3A_93 = arith.constant 4 : i32
    %rem3A_94 = arith.remsi %rem3A, %rem3A_93 : i32
    %add3A_95 = arith.constant 0 : i32
    %add3A_96 = arith.addi %add3A_4, %add3A_95 : i32
    %min3A_97 = arith.constant 2499 : i32
    %min3A_98 = arith.minsi %add3A_96, %min3A_97 : i32
    "tpu.region"() ({
      %run_scoped3A = tpu.sem_alloc : memref<!tpu.dma_semaphore, #tpu.memory_space<semaphore_mem>>
      %dma_start3A_200 = arith.constant 0 : i32
      %dma_start3A_201 = tpu.memref_slice %arg6[%rem3A_94, %dma_start3A_200] : memref<4x128xi32, #tpu.memory_space<vmem>> -> memref<1x128xi32, #tpu.memory_space<vmem>>
      %dma_start3A_202 = arith.constant 0 : i32
      %dma_start3A_203 = arith.constant 0 : i32
      %dma_start3A_204 = tpu.memref_slice %arg2[%min3A_98, %dma_start3A_202, %dma_start3A_203] : memref<2500x1x128xi32, #tpu.memory_space<hbm>> -> memref<1x1x128xi32, #tpu.memory_space<hbm>>
      %dma_start3A_205 = tpu.memref_squeeze %dma_start3A_204 : memref<1x1x128xi32, #tpu.memory_space<hbm>> -> memref<1x128xi32, #tpu.memory_space<hbm>>
      %dma_start3A_206 = arith.constant 0 : i32
      %dma_start3A_207 = tpu.memref_slice %arg6[%rem3A_94, %dma_start3A_206] : memref<4x128xi32, #tpu.memory_space<vmem>> -> memref<1x128xi32, #tpu.memory_space<vmem>>
      %dma_start3A_208 = arith.constant 0 : i32
      %dma_start3A_209 = arith.constant 0 : i32
      %dma_start3A_210 = tpu.memref_slice %arg2[%min3A_98, %dma_start3A_208, %dma_start3A_209] : memref<2500x1x128xi32, #tpu.memory_space<hbm>> -> memref<1x1x128xi32, #tpu.memory_space<hbm>>
      %dma_start3A_211 = tpu.memref_squeeze %dma_start3A_210 : memref<1x1x128xi32, #tpu.memory_space<hbm>> -> memref<1x128xi32, #tpu.memory_space<hbm>>
      tpu.enqueue_dma source(%dma_start3A_211 : memref<1x128xi32, #tpu.memory_space<hbm>>) target(%dma_start3A_207 : memref<1x128xi32, #tpu.memory_space<vmem>>) target_semaphore(%run_scoped3A : memref<!tpu.dma_semaphore, #tpu.memory_space<semaphore_mem>>)
      %dma_wait3A_212 = arith.constant 0 : i32
      %dma_wait3A_213 = tpu.memref_slice %arg6[%rem3A_94, %dma_wait3A_212] : memref<4x128xi32, #tpu.memory_space<vmem>> -> memref<1x128xi32, #tpu.memory_space<vmem>>
      %dma_wait3A_214 = arith.constant 0 : i32
      %dma_wait3A_215 = arith.constant 0 : i32
      %dma_wait3A_216 = tpu.memref_slice %arg2[%min3A_98, %dma_wait3A_214, %dma_wait3A_215] : memref<2500x1x128xi32, #tpu.memory_space<hbm>> -> memref<1x1x128xi32, #tpu.memory_space<hbm>>
      %dma_wait3A_217 = tpu.memref_squeeze %dma_wait3A_216 : memref<1x1x128xi32, #tpu.memory_space<hbm>> -> memref<1x128xi32, #tpu.memory_space<hbm>>
      %dma_wait3A_218 = arith.constant 0 : i32
      %dma_wait3A_219 = tpu.memref_slice %arg6[%rem3A_94, %dma_wait3A_218] : memref<4x128xi32, #tpu.memory_space<vmem>> -> memref<1x128xi32, #tpu.memory_space<vmem>>
      %dma_wait3A_220 = arith.constant 0 : i32
      %dma_wait3A_221 = arith.constant 0 : i32
      %dma_wait3A_222 = tpu.memref_slice %arg2[%min3A_98, %dma_wait3A_220, %dma_wait3A_221] : memref<2500x1x128xi32, #tpu.memory_space<hbm>> -> memref<1x1x128xi32, #tpu.memory_space<hbm>>
      %dma_wait3A_223 = tpu.memref_squeeze %dma_wait3A_222 : memref<1x1x128xi32, #tpu.memory_space<hbm>> -> memref<1x128xi32, #tpu.memory_space<hbm>>
      tpu.wait_dma2 semaphore(%run_scoped3A : memref<!tpu.dma_semaphore, #tpu.memory_space<semaphore_mem>>) src(%dma_wait3A_223 : memref<1x128xi32, #tpu.memory_space<hbm>>) dst(%dma_wait3A_219 : memref<1x128xi32, #tpu.memory_space<vmem>>)
      tpu.yield
    }) : () -> ()
    %add3A_99 = arith.constant 0 : i32
    %add3A_100 = arith.addi %add3A_4, %add3A_99 : i32
    %min3A_101 = arith.constant 2499 : i32
    %min3A_102 = arith.minsi %add3A_100, %min3A_101 : i32
    "tpu.region"() ({
      %run_scoped3A = tpu.sem_alloc : memref<!tpu.dma_semaphore, #tpu.memory_space<semaphore_mem>>
      %dma_start3A_200 = arith.constant 0 : i32
      %dma_start3A_201 = tpu.memref_slice %arg7[%rem3A_94, %dma_start3A_200] : memref<4x128xi32, #tpu.memory_space<vmem>> -> memref<1x128xi32, #tpu.memory_space<vmem>>
      %dma_start3A_202 = arith.constant 0 : i32
      %dma_start3A_203 = arith.constant 0 : i32
      %dma_start3A_204 = tpu.memref_slice %arg3[%min3A_102, %dma_start3A_202, %dma_start3A_203] : memref<2500x1x128xi32, #tpu.memory_space<hbm>> -> memref<1x1x128xi32, #tpu.memory_space<hbm>>
      %dma_start3A_205 = tpu.memref_squeeze %dma_start3A_204 : memref<1x1x128xi32, #tpu.memory_space<hbm>> -> memref<1x128xi32, #tpu.memory_space<hbm>>
      %dma_start3A_206 = arith.constant 0 : i32
      %dma_start3A_207 = tpu.memref_slice %arg7[%rem3A_94, %dma_start3A_206] : memref<4x128xi32, #tpu.memory_space<vmem>> -> memref<1x128xi32, #tpu.memory_space<vmem>>
      %dma_start3A_208 = arith.constant 0 : i32
      %dma_start3A_209 = arith.constant 0 : i32
      %dma_start3A_210 = tpu.memref_slice %arg3[%min3A_102, %dma_start3A_208, %dma_start3A_209] : memref<2500x1x128xi32, #tpu.memory_space<hbm>> -> memref<1x1x128xi32, #tpu.memory_space<hbm>>
      %dma_start3A_211 = tpu.memref_squeeze %dma_start3A_210 : memref<1x1x128xi32, #tpu.memory_space<hbm>> -> memref<1x128xi32, #tpu.memory_space<hbm>>
      tpu.enqueue_dma source(%dma_start3A_211 : memref<1x128xi32, #tpu.memory_space<hbm>>) target(%dma_start3A_207 : memref<1x128xi32, #tpu.memory_space<vmem>>) target_semaphore(%run_scoped3A : memref<!tpu.dma_semaphore, #tpu.memory_space<semaphore_mem>>)
      %dma_wait3A_212 = arith.constant 0 : i32
      %dma_wait3A_213 = tpu.memref_slice %arg7[%rem3A_94, %dma_wait3A_212] : memref<4x128xi32, #tpu.memory_space<vmem>> -> memref<1x128xi32, #tpu.memory_space<vmem>>
      %dma_wait3A_214 = arith.constant 0 : i32
      %dma_wait3A_215 = arith.constant 0 : i32
      %dma_wait3A_216 = tpu.memref_slice %arg3[%min3A_102, %dma_wait3A_214, %dma_wait3A_215] : memref<2500x1x128xi32, #tpu.memory_space<hbm>> -> memref<1x1x128xi32, #tpu.memory_space<hbm>>
      %dma_wait3A_217 = tpu.memref_squeeze %dma_wait3A_216 : memref<1x1x128xi32, #tpu.memory_space<hbm>> -> memref<1x128xi32, #tpu.memory_space<hbm>>
      %dma_wait3A_218 = arith.constant 0 : i32
      %dma_wait3A_219 = tpu.memref_slice %arg7[%rem3A_94, %dma_wait3A_218] : memref<4x128xi32, #tpu.memory_space<vmem>> -> memref<1x128xi32, #tpu.memory_space<vmem>>
      %dma_wait3A_220 = arith.constant 0 : i32
      %dma_wait3A_221 = arith.constant 0 : i32
      %dma_wait3A_222 = tpu.memref_slice %arg3[%min3A_102, %dma_wait3A_220, %dma_wait3A_221] : memref<2500x1x128xi32, #tpu.memory_space<hbm>> -> memref<1x1x128xi32, #tpu.memory_space<hbm>>
      %dma_wait3A_223 = tpu.memref_squeeze %dma_wait3A_222 : memref<1x1x128xi32, #tpu.memory_space<hbm>> -> memref<1x128xi32, #tpu.memory_space<hbm>>
      tpu.wait_dma2 semaphore(%run_scoped3A : memref<!tpu.dma_semaphore, #tpu.memory_space<semaphore_mem>>) src(%dma_wait3A_223 : memref<1x128xi32, #tpu.memory_space<hbm>>) dst(%dma_wait3A_219 : memref<1x128xi32, #tpu.memory_space<vmem>>)
      tpu.yield
    }) : () -> ()
    %rem3A_103 = arith.constant 1 : i32
    %rem3A_104 = arith.constant 4 : i32
    %rem3A_105 = arith.remsi %rem3A_103, %rem3A_104 : i32
    %add3A_106 = arith.constant 1 : i32
    %add3A_107 = arith.addi %add3A_4, %add3A_106 : i32
    %min3A_108 = arith.constant 2499 : i32
    %min3A_109 = arith.minsi %add3A_107, %min3A_108 : i32
    "tpu.region"() ({
      %run_scoped3A = tpu.sem_alloc : memref<!tpu.dma_semaphore, #tpu.memory_space<semaphore_mem>>
      %dma_start3A_200 = arith.constant 0 : i32
      %dma_start3A_201 = tpu.memref_slice %arg6[%rem3A_105, %dma_start3A_200] : memref<4x128xi32, #tpu.memory_space<vmem>> -> memref<1x128xi32, #tpu.memory_space<vmem>>
      %dma_start3A_202 = arith.constant 0 : i32
      %dma_start3A_203 = arith.constant 0 : i32
      %dma_start3A_204 = tpu.memref_slice %arg2[%min3A_109, %dma_start3A_202, %dma_start3A_203] : memref<2500x1x128xi32, #tpu.memory_space<hbm>> -> memref<1x1x128xi32, #tpu.memory_space<hbm>>
      %dma_start3A_205 = tpu.memref_squeeze %dma_start3A_204 : memref<1x1x128xi32, #tpu.memory_space<hbm>> -> memref<1x128xi32, #tpu.memory_space<hbm>>
      %dma_start3A_206 = arith.constant 0 : i32
      %dma_start3A_207 = tpu.memref_slice %arg6[%rem3A_105, %dma_start3A_206] : memref<4x128xi32, #tpu.memory_space<vmem>> -> memref<1x128xi32, #tpu.memory_space<vmem>>
      %dma_start3A_208 = arith.constant 0 : i32
      %dma_start3A_209 = arith.constant 0 : i32
      %dma_start3A_210 = tpu.memref_slice %arg2[%min3A_109, %dma_start3A_208, %dma_start3A_209] : memref<2500x1x128xi32, #tpu.memory_space<hbm>> -> memref<1x1x128xi32, #tpu.memory_space<hbm>>
      %dma_start3A_211 = tpu.memref_squeeze %dma_start3A_210 : memref<1x1x128xi32, #tpu.memory_space<hbm>> -> memref<1x128xi32, #tpu.memory_space<hbm>>
      tpu.enqueue_dma source(%dma_start3A_211 : memref<1x128xi32, #tpu.memory_space<hbm>>) target(%dma_start3A_207 : memref<1x128xi32, #tpu.memory_space<vmem>>) target_semaphore(%run_scoped3A : memref<!tpu.dma_semaphore, #tpu.memory_space<semaphore_mem>>)
      %dma_wait3A_212 = arith.constant 0 : i32
      %dma_wait3A_213 = tpu.memref_slice %arg6[%rem3A_105, %dma_wait3A_212] : memref<4x128xi32, #tpu.memory_space<vmem>> -> memref<1x128xi32, #tpu.memory_space<vmem>>
      %dma_wait3A_214 = arith.constant 0 : i32
      %dma_wait3A_215 = arith.constant 0 : i32
      %dma_wait3A_216 = tpu.memref_slice %arg2[%min3A_109, %dma_wait3A_214, %dma_wait3A_215] : memref<2500x1x128xi32, #tpu.memory_space<hbm>> -> memref<1x1x128xi32, #tpu.memory_space<hbm>>
      %dma_wait3A_217 = tpu.memref_squeeze %dma_wait3A_216 : memref<1x1x128xi32, #tpu.memory_space<hbm>> -> memref<1x128xi32, #tpu.memory_space<hbm>>
      %dma_wait3A_218 = arith.constant 0 : i32
      %dma_wait3A_219 = tpu.memref_slice %arg6[%rem3A_105, %dma_wait3A_218] : memref<4x128xi32, #tpu.memory_space<vmem>> -> memref<1x128xi32, #tpu.memory_space<vmem>>
      %dma_wait3A_220 = arith.constant 0 : i32
      %dma_wait3A_221 = arith.constant 0 : i32
      %dma_wait3A_222 = tpu.memref_slice %arg2[%min3A_109, %dma_wait3A_220, %dma_wait3A_221] : memref<2500x1x128xi32, #tpu.memory_space<hbm>> -> memref<1x1x128xi32, #tpu.memory_space<hbm>>
      %dma_wait3A_223 = tpu.memref_squeeze %dma_wait3A_222 : memref<1x1x128xi32, #tpu.memory_space<hbm>> -> memref<1x128xi32, #tpu.memory_space<hbm>>
      tpu.wait_dma2 semaphore(%run_scoped3A : memref<!tpu.dma_semaphore, #tpu.memory_space<semaphore_mem>>) src(%dma_wait3A_223 : memref<1x128xi32, #tpu.memory_space<hbm>>) dst(%dma_wait3A_219 : memref<1x128xi32, #tpu.memory_space<vmem>>)
      tpu.yield
    }) : () -> ()
    %add3A_110 = arith.constant 1 : i32
    %add3A_111 = arith.addi %add3A_4, %add3A_110 : i32
    %min3A_112 = arith.constant 2499 : i32
    %min3A_113 = arith.minsi %add3A_111, %min3A_112 : i32
    "tpu.region"() ({
      %run_scoped3A = tpu.sem_alloc : memref<!tpu.dma_semaphore, #tpu.memory_space<semaphore_mem>>
      %dma_start3A_200 = arith.constant 0 : i32
      %dma_start3A_201 = tpu.memref_slice %arg7[%rem3A_105, %dma_start3A_200] : memref<4x128xi32, #tpu.memory_space<vmem>> -> memref<1x128xi32, #tpu.memory_space<vmem>>
      %dma_start3A_202 = arith.constant 0 : i32
      %dma_start3A_203 = arith.constant 0 : i32
      %dma_start3A_204 = tpu.memref_slice %arg3[%min3A_113, %dma_start3A_202, %dma_start3A_203] : memref<2500x1x128xi32, #tpu.memory_space<hbm>> -> memref<1x1x128xi32, #tpu.memory_space<hbm>>
      %dma_start3A_205 = tpu.memref_squeeze %dma_start3A_204 : memref<1x1x128xi32, #tpu.memory_space<hbm>> -> memref<1x128xi32, #tpu.memory_space<hbm>>
      %dma_start3A_206 = arith.constant 0 : i32
      %dma_start3A_207 = tpu.memref_slice %arg7[%rem3A_105, %dma_start3A_206] : memref<4x128xi32, #tpu.memory_space<vmem>> -> memref<1x128xi32, #tpu.memory_space<vmem>>
      %dma_start3A_208 = arith.constant 0 : i32
      %dma_start3A_209 = arith.constant 0 : i32
      %dma_start3A_210 = tpu.memref_slice %arg3[%min3A_113, %dma_start3A_208, %dma_start3A_209] : memref<2500x1x128xi32, #tpu.memory_space<hbm>> -> memref<1x1x128xi32, #tpu.memory_space<hbm>>
      %dma_start3A_211 = tpu.memref_squeeze %dma_start3A_210 : memref<1x1x128xi32, #tpu.memory_space<hbm>> -> memref<1x128xi32, #tpu.memory_space<hbm>>
      tpu.enqueue_dma source(%dma_start3A_211 : memref<1x128xi32, #tpu.memory_space<hbm>>) target(%dma_start3A_207 : memref<1x128xi32, #tpu.memory_space<vmem>>) target_semaphore(%run_scoped3A : memref<!tpu.dma_semaphore, #tpu.memory_space<semaphore_mem>>)
      %dma_wait3A_212 = arith.constant 0 : i32
      %dma_wait3A_213 = tpu.memref_slice %arg7[%rem3A_105, %dma_wait3A_212] : memref<4x128xi32, #tpu.memory_space<vmem>> -> memref<1x128xi32, #tpu.memory_space<vmem>>
      %dma_wait3A_214 = arith.constant 0 : i32
      %dma_wait3A_215 = arith.constant 0 : i32
      %dma_wait3A_216 = tpu.memref_slice %arg3[%min3A_113, %dma_wait3A_214, %dma_wait3A_215] : memref<2500x1x128xi32, #tpu.memory_space<hbm>> -> memref<1x1x128xi32, #tpu.memory_space<hbm>>
      %dma_wait3A_217 = tpu.memref_squeeze %dma_wait3A_216 : memref<1x1x128xi32, #tpu.memory_space<hbm>> -> memref<1x128xi32, #tpu.memory_space<hbm>>
      %dma_wait3A_218 = arith.constant 0 : i32
      %dma_wait3A_219 = tpu.memref_slice %arg7[%rem3A_105, %dma_wait3A_218] : memref<4x128xi32, #tpu.memory_space<vmem>> -> memref<1x128xi32, #tpu.memory_space<vmem>>
      %dma_wait3A_220 = arith.constant 0 : i32
      %dma_wait3A_221 = arith.constant 0 : i32
      %dma_wait3A_222 = tpu.memref_slice %arg3[%min3A_113, %dma_wait3A_220, %dma_wait3A_221] : memref<2500x1x128xi32, #tpu.memory_space<hbm>> -> memref<1x1x128xi32, #tpu.memory_space<hbm>>
      %dma_wait3A_223 = tpu.memref_squeeze %dma_wait3A_222 : memref<1x1x128xi32, #tpu.memory_space<hbm>> -> memref<1x128xi32, #tpu.memory_space<hbm>>
      tpu.wait_dma2 semaphore(%run_scoped3A : memref<!tpu.dma_semaphore, #tpu.memory_space<semaphore_mem>>) src(%dma_wait3A_223 : memref<1x128xi32, #tpu.memory_space<hbm>>) dst(%dma_wait3A_219 : memref<1x128xi32, #tpu.memory_space<vmem>>)
      tpu.yield
    }) : () -> ()
    %rem3A_114 = arith.constant 2 : i32
    %rem3A_115 = arith.constant 4 : i32
    %rem3A_116 = arith.remsi %rem3A_114, %rem3A_115 : i32
    %add3A_117 = arith.constant 2 : i32
    %add3A_118 = arith.addi %add3A_4, %add3A_117 : i32
    %min3A_119 = arith.constant 2499 : i32
    %min3A_120 = arith.minsi %add3A_118, %min3A_119 : i32
    "tpu.region"() ({
      %run_scoped3A = tpu.sem_alloc : memref<!tpu.dma_semaphore, #tpu.memory_space<semaphore_mem>>
      %dma_start3A_200 = arith.constant 0 : i32
      %dma_start3A_201 = tpu.memref_slice %arg6[%rem3A_116, %dma_start3A_200] : memref<4x128xi32, #tpu.memory_space<vmem>> -> memref<1x128xi32, #tpu.memory_space<vmem>>
      %dma_start3A_202 = arith.constant 0 : i32
      %dma_start3A_203 = arith.constant 0 : i32
      %dma_start3A_204 = tpu.memref_slice %arg2[%min3A_120, %dma_start3A_202, %dma_start3A_203] : memref<2500x1x128xi32, #tpu.memory_space<hbm>> -> memref<1x1x128xi32, #tpu.memory_space<hbm>>
      %dma_start3A_205 = tpu.memref_squeeze %dma_start3A_204 : memref<1x1x128xi32, #tpu.memory_space<hbm>> -> memref<1x128xi32, #tpu.memory_space<hbm>>
      %dma_start3A_206 = arith.constant 0 : i32
      %dma_start3A_207 = tpu.memref_slice %arg6[%rem3A_116, %dma_start3A_206] : memref<4x128xi32, #tpu.memory_space<vmem>> -> memref<1x128xi32, #tpu.memory_space<vmem>>
      %dma_start3A_208 = arith.constant 0 : i32
      %dma_start3A_209 = arith.constant 0 : i32
      %dma_start3A_210 = tpu.memref_slice %arg2[%min3A_120, %dma_start3A_208, %dma_start3A_209] : memref<2500x1x128xi32, #tpu.memory_space<hbm>> -> memref<1x1x128xi32, #tpu.memory_space<hbm>>
      %dma_start3A_211 = tpu.memref_squeeze %dma_start3A_210 : memref<1x1x128xi32, #tpu.memory_space<hbm>> -> memref<1x128xi32, #tpu.memory_space<hbm>>
      tpu.enqueue_dma source(%dma_start3A_211 : memref<1x128xi32, #tpu.memory_space<hbm>>) target(%dma_start3A_207 : memref<1x128xi32, #tpu.memory_space<vmem>>) target_semaphore(%run_scoped3A : memref<!tpu.dma_semaphore, #tpu.memory_space<semaphore_mem>>)
      %dma_wait3A_212 = arith.constant 0 : i32
      %dma_wait3A_213 = tpu.memref_slice %arg6[%rem3A_116, %dma_wait3A_212] : memref<4x128xi32, #tpu.memory_space<vmem>> -> memref<1x128xi32, #tpu.memory_space<vmem>>
      %dma_wait3A_214 = arith.constant 0 : i32
      %dma_wait3A_215 = arith.constant 0 : i32
      %dma_wait3A_216 = tpu.memref_slice %arg2[%min3A_120, %dma_wait3A_214, %dma_wait3A_215] : memref<2500x1x128xi32, #tpu.memory_space<hbm>> -> memref<1x1x128xi32, #tpu.memory_space<hbm>>
      %dma_wait3A_217 = tpu.memref_squeeze %dma_wait3A_216 : memref<1x1x128xi32, #tpu.memory_space<hbm>> -> memref<1x128xi32, #tpu.memory_space<hbm>>
      %dma_wait3A_218 = arith.constant 0 : i32
      %dma_wait3A_219 = tpu.memref_slice %arg6[%rem3A_116, %dma_wait3A_218] : memref<4x128xi32, #tpu.memory_space<vmem>> -> memref<1x128xi32, #tpu.memory_space<vmem>>
      %dma_wait3A_220 = arith.constant 0 : i32
      %dma_wait3A_221 = arith.constant 0 : i32
      %dma_wait3A_222 = tpu.memref_slice %arg2[%min3A_120, %dma_wait3A_220, %dma_wait3A_221] : memref<2500x1x128xi32, #tpu.memory_space<hbm>> -> memref<1x1x128xi32, #tpu.memory_space<hbm>>
      %dma_wait3A_223 = tpu.memref_squeeze %dma_wait3A_222 : memref<1x1x128xi32, #tpu.memory_space<hbm>> -> memref<1x128xi32, #tpu.memory_space<hbm>>
      tpu.wait_dma2 semaphore(%run_scoped3A : memref<!tpu.dma_semaphore, #tpu.memory_space<semaphore_mem>>) src(%dma_wait3A_223 : memref<1x128xi32, #tpu.memory_space<hbm>>) dst(%dma_wait3A_219 : memref<1x128xi32, #tpu.memory_space<vmem>>)
      tpu.yield
    }) : () -> ()
    %add3A_121 = arith.constant 2 : i32
    %add3A_122 = arith.addi %add3A_4, %add3A_121 : i32
    %min3A_123 = arith.constant 2499 : i32
    %min3A_124 = arith.minsi %add3A_122, %min3A_123 : i32
    "tpu.region"() ({
      %run_scoped3A = tpu.sem_alloc : memref<!tpu.dma_semaphore, #tpu.memory_space<semaphore_mem>>
      %dma_start3A_200 = arith.constant 0 : i32
      %dma_start3A_201 = tpu.memref_slice %arg7[%rem3A_116, %dma_start3A_200] : memref<4x128xi32, #tpu.memory_space<vmem>> -> memref<1x128xi32, #tpu.memory_space<vmem>>
      %dma_start3A_202 = arith.constant 0 : i32
      %dma_start3A_203 = arith.constant 0 : i32
      %dma_start3A_204 = tpu.memref_slice %arg3[%min3A_124, %dma_start3A_202, %dma_start3A_203] : memref<2500x1x128xi32, #tpu.memory_space<hbm>> -> memref<1x1x128xi32, #tpu.memory_space<hbm>>
      %dma_start3A_205 = tpu.memref_squeeze %dma_start3A_204 : memref<1x1x128xi32, #tpu.memory_space<hbm>> -> memref<1x128xi32, #tpu.memory_space<hbm>>
      %dma_start3A_206 = arith.constant 0 : i32
      %dma_start3A_207 = tpu.memref_slice %arg7[%rem3A_116, %dma_start3A_206] : memref<4x128xi32, #tpu.memory_space<vmem>> -> memref<1x128xi32, #tpu.memory_space<vmem>>
      %dma_start3A_208 = arith.constant 0 : i32
      %dma_start3A_209 = arith.constant 0 : i32
      %dma_start3A_210 = tpu.memref_slice %arg3[%min3A_124, %dma_start3A_208, %dma_start3A_209] : memref<2500x1x128xi32, #tpu.memory_space<hbm>> -> memref<1x1x128xi32, #tpu.memory_space<hbm>>
      %dma_start3A_211 = tpu.memref_squeeze %dma_start3A_210 : memref<1x1x128xi32, #tpu.memory_space<hbm>> -> memref<1x128xi32, #tpu.memory_space<hbm>>
      tpu.enqueue_dma source(%dma_start3A_211 : memref<1x128xi32, #tpu.memory_space<hbm>>) target(%dma_start3A_207 : memref<1x128xi32, #tpu.memory_space<vmem>>) target_semaphore(%run_scoped3A : memref<!tpu.dma_semaphore, #tpu.memory_space<semaphore_mem>>)
      %dma_wait3A_212 = arith.constant 0 : i32
      %dma_wait3A_213 = tpu.memref_slice %arg7[%rem3A_116, %dma_wait3A_212] : memref<4x128xi32, #tpu.memory_space<vmem>> -> memref<1x128xi32, #tpu.memory_space<vmem>>
      %dma_wait3A_214 = arith.constant 0 : i32
      %dma_wait3A_215 = arith.constant 0 : i32
      %dma_wait3A_216 = tpu.memref_slice %arg3[%min3A_124, %dma_wait3A_214, %dma_wait3A_215] : memref<2500x1x128xi32, #tpu.memory_space<hbm>> -> memref<1x1x128xi32, #tpu.memory_space<hbm>>
      %dma_wait3A_217 = tpu.memref_squeeze %dma_wait3A_216 : memref<1x1x128xi32, #tpu.memory_space<hbm>> -> memref<1x128xi32, #tpu.memory_space<hbm>>
      %dma_wait3A_218 = arith.constant 0 : i32
      %dma_wait3A_219 = tpu.memref_slice %arg7[%rem3A_116, %dma_wait3A_218] : memref<4x128xi32, #tpu.memory_space<vmem>> -> memref<1x128xi32, #tpu.memory_space<vmem>>
      %dma_wait3A_220 = arith.constant 0 : i32
      %dma_wait3A_221 = arith.constant 0 : i32
      %dma_wait3A_222 = tpu.memref_slice %arg3[%min3A_124, %dma_wait3A_220, %dma_wait3A_221] : memref<2500x1x128xi32, #tpu.memory_space<hbm>> -> memref<1x1x128xi32, #tpu.memory_space<hbm>>
      %dma_wait3A_223 = tpu.memref_squeeze %dma_wait3A_222 : memref<1x1x128xi32, #tpu.memory_space<hbm>> -> memref<1x128xi32, #tpu.memory_space<hbm>>
      tpu.wait_dma2 semaphore(%run_scoped3A : memref<!tpu.dma_semaphore, #tpu.memory_space<semaphore_mem>>) src(%dma_wait3A_223 : memref<1x128xi32, #tpu.memory_space<hbm>>) dst(%dma_wait3A_219 : memref<1x128xi32, #tpu.memory_space<vmem>>)
      tpu.yield
    }) : () -> ()
    %rem3A_125 = arith.constant 3 : i32
    %rem3A_126 = arith.constant 4 : i32
    %rem3A_127 = arith.remsi %rem3A_125, %rem3A_126 : i32
    %add3A_128 = arith.constant 3 : i32
    %add3A_129 = arith.addi %add3A_4, %add3A_128 : i32
    %min3A_130 = arith.constant 2499 : i32
    %min3A_131 = arith.minsi %add3A_129, %min3A_130 : i32
    "tpu.region"() ({
      %run_scoped3A = tpu.sem_alloc : memref<!tpu.dma_semaphore, #tpu.memory_space<semaphore_mem>>
      %dma_start3A_200 = arith.constant 0 : i32
      %dma_start3A_201 = tpu.memref_slice %arg6[%rem3A_127, %dma_start3A_200] : memref<4x128xi32, #tpu.memory_space<vmem>> -> memref<1x128xi32, #tpu.memory_space<vmem>>
      %dma_start3A_202 = arith.constant 0 : i32
      %dma_start3A_203 = arith.constant 0 : i32
      %dma_start3A_204 = tpu.memref_slice %arg2[%min3A_131, %dma_start3A_202, %dma_start3A_203] : memref<2500x1x128xi32, #tpu.memory_space<hbm>> -> memref<1x1x128xi32, #tpu.memory_space<hbm>>
      %dma_start3A_205 = tpu.memref_squeeze %dma_start3A_204 : memref<1x1x128xi32, #tpu.memory_space<hbm>> -> memref<1x128xi32, #tpu.memory_space<hbm>>
      %dma_start3A_206 = arith.constant 0 : i32
      %dma_start3A_207 = tpu.memref_slice %arg6[%rem3A_127, %dma_start3A_206] : memref<4x128xi32, #tpu.memory_space<vmem>> -> memref<1x128xi32, #tpu.memory_space<vmem>>
      %dma_start3A_208 = arith.constant 0 : i32
      %dma_start3A_209 = arith.constant 0 : i32
      %dma_start3A_210 = tpu.memref_slice %arg2[%min3A_131, %dma_start3A_208, %dma_start3A_209] : memref<2500x1x128xi32, #tpu.memory_space<hbm>> -> memref<1x1x128xi32, #tpu.memory_space<hbm>>
      %dma_start3A_211 = tpu.memref_squeeze %dma_start3A_210 : memref<1x1x128xi32, #tpu.memory_space<hbm>> -> memref<1x128xi32, #tpu.memory_space<hbm>>
      tpu.enqueue_dma source(%dma_start3A_211 : memref<1x128xi32, #tpu.memory_space<hbm>>) target(%dma_start3A_207 : memref<1x128xi32, #tpu.memory_space<vmem>>) target_semaphore(%run_scoped3A : memref<!tpu.dma_semaphore, #tpu.memory_space<semaphore_mem>>)
      %dma_wait3A_212 = arith.constant 0 : i32
      %dma_wait3A_213 = tpu.memref_slice %arg6[%rem3A_127, %dma_wait3A_212] : memref<4x128xi32, #tpu.memory_space<vmem>> -> memref<1x128xi32, #tpu.memory_space<vmem>>
      %dma_wait3A_214 = arith.constant 0 : i32
      %dma_wait3A_215 = arith.constant 0 : i32
      %dma_wait3A_216 = tpu.memref_slice %arg2[%min3A_131, %dma_wait3A_214, %dma_wait3A_215] : memref<2500x1x128xi32, #tpu.memory_space<hbm>> -> memref<1x1x128xi32, #tpu.memory_space<hbm>>
      %dma_wait3A_217 = tpu.memref_squeeze %dma_wait3A_216 : memref<1x1x128xi32, #tpu.memory_space<hbm>> -> memref<1x128xi32, #tpu.memory_space<hbm>>
      %dma_wait3A_218 = arith.constant 0 : i32
      %dma_wait3A_219 = tpu.memref_slice %arg6[%rem3A_127, %dma_wait3A_218] : memref<4x128xi32, #tpu.memory_space<vmem>> -> memref<1x128xi32, #tpu.memory_space<vmem>>
      %dma_wait3A_220 = arith.constant 0 : i32
      %dma_wait3A_221 = arith.constant 0 : i32
      %dma_wait3A_222 = tpu.memref_slice %arg2[%min3A_131, %dma_wait3A_220, %dma_wait3A_221] : memref<2500x1x128xi32, #tpu.memory_space<hbm>> -> memref<1x1x128xi32, #tpu.memory_space<hbm>>
      %dma_wait3A_223 = tpu.memref_squeeze %dma_wait3A_222 : memref<1x1x128xi32, #tpu.memory_space<hbm>> -> memref<1x128xi32, #tpu.memory_space<hbm>>
      tpu.wait_dma2 semaphore(%run_scoped3A : memref<!tpu.dma_semaphore, #tpu.memory_space<semaphore_mem>>) src(%dma_wait3A_223 : memref<1x128xi32, #tpu.memory_space<hbm>>) dst(%dma_wait3A_219 : memref<1x128xi32, #tpu.memory_space<vmem>>)
      tpu.yield
    }) : () -> ()
    %add3A_132 = arith.constant 3 : i32
    %add3A_133 = arith.addi %add3A_4, %add3A_132 : i32
    %min3A_134 = arith.constant 2499 : i32
    %min3A_135 = arith.minsi %add3A_133, %min3A_134 : i32
    "tpu.region"() ({
      %run_scoped3A = tpu.sem_alloc : memref<!tpu.dma_semaphore, #tpu.memory_space<semaphore_mem>>
      %dma_start3A_200 = arith.constant 0 : i32
      %dma_start3A_201 = tpu.memref_slice %arg7[%rem3A_127, %dma_start3A_200] : memref<4x128xi32, #tpu.memory_space<vmem>> -> memref<1x128xi32, #tpu.memory_space<vmem>>
      %dma_start3A_202 = arith.constant 0 : i32
      %dma_start3A_203 = arith.constant 0 : i32
      %dma_start3A_204 = tpu.memref_slice %arg3[%min3A_135, %dma_start3A_202, %dma_start3A_203] : memref<2500x1x128xi32, #tpu.memory_space<hbm>> -> memref<1x1x128xi32, #tpu.memory_space<hbm>>
      %dma_start3A_205 = tpu.memref_squeeze %dma_start3A_204 : memref<1x1x128xi32, #tpu.memory_space<hbm>> -> memref<1x128xi32, #tpu.memory_space<hbm>>
      %dma_start3A_206 = arith.constant 0 : i32
      %dma_start3A_207 = tpu.memref_slice %arg7[%rem3A_127, %dma_start3A_206] : memref<4x128xi32, #tpu.memory_space<vmem>> -> memref<1x128xi32, #tpu.memory_space<vmem>>
      %dma_start3A_208 = arith.constant 0 : i32
      %dma_start3A_209 = arith.constant 0 : i32
      %dma_start3A_210 = tpu.memref_slice %arg3[%min3A_135, %dma_start3A_208, %dma_start3A_209] : memref<2500x1x128xi32, #tpu.memory_space<hbm>> -> memref<1x1x128xi32, #tpu.memory_space<hbm>>
      %dma_start3A_211 = tpu.memref_squeeze %dma_start3A_210 : memref<1x1x128xi32, #tpu.memory_space<hbm>> -> memref<1x128xi32, #tpu.memory_space<hbm>>
      tpu.enqueue_dma source(%dma_start3A_211 : memref<1x128xi32, #tpu.memory_space<hbm>>) target(%dma_start3A_207 : memref<1x128xi32, #tpu.memory_space<vmem>>) target_semaphore(%run_scoped3A : memref<!tpu.dma_semaphore, #tpu.memory_space<semaphore_mem>>)
      %dma_wait3A_212 = arith.constant 0 : i32
      %dma_wait3A_213 = tpu.memref_slice %arg7[%rem3A_127, %dma_wait3A_212] : memref<4x128xi32, #tpu.memory_space<vmem>> -> memref<1x128xi32, #tpu.memory_space<vmem>>
      %dma_wait3A_214 = arith.constant 0 : i32
      %dma_wait3A_215 = arith.constant 0 : i32
      %dma_wait3A_216 = tpu.memref_slice %arg3[%min3A_135, %dma_wait3A_214, %dma_wait3A_215] : memref<2500x1x128xi32, #tpu.memory_space<hbm>> -> memref<1x1x128xi32, #tpu.memory_space<hbm>>
      %dma_wait3A_217 = tpu.memref_squeeze %dma_wait3A_216 : memref<1x1x128xi32, #tpu.memory_space<hbm>> -> memref<1x128xi32, #tpu.memory_space<hbm>>
      %dma_wait3A_218 = arith.constant 0 : i32
      %dma_wait3A_219 = tpu.memref_slice %arg7[%rem3A_127, %dma_wait3A_218] : memref<4x128xi32, #tpu.memory_space<vmem>> -> memref<1x128xi32, #tpu.memory_space<vmem>>
      %dma_wait3A_220 = arith.constant 0 : i32
      %dma_wait3A_221 = arith.constant 0 : i32
      %dma_wait3A_222 = tpu.memref_slice %arg3[%min3A_135, %dma_wait3A_220, %dma_wait3A_221] : memref<2500x1x128xi32, #tpu.memory_space<hbm>> -> memref<1x1x128xi32, #tpu.memory_space<hbm>>
      %dma_wait3A_223 = tpu.memref_squeeze %dma_wait3A_222 : memref<1x1x128xi32, #tpu.memory_space<hbm>> -> memref<1x128xi32, #tpu.memory_space<hbm>>
      tpu.wait_dma2 semaphore(%run_scoped3A : memref<!tpu.dma_semaphore, #tpu.memory_space<semaphore_mem>>) src(%dma_wait3A_223 : memref<1x128xi32, #tpu.memory_space<hbm>>) dst(%dma_wait3A_219 : memref<1x128xi32, #tpu.memory_space<vmem>>)
      tpu.yield
    }) : () -> ()
    %rem3A_136 = arith.constant 0 : i32
    %rem3A_137 = arith.constant 4 : i32
    %rem3A_138 = arith.remsi %rem3A_136, %rem3A_137 : i32
    %dma_start3A_139 = arith.constant 0 : i32
    %dma_start3A_140 = tpu.memref_slice %arg6[%rem3A_138, %dma_start3A_139] : memref<4x128xi32, #tpu.memory_space<vmem>> -> memref<1x128xi32, #tpu.memory_space<vmem>>
    %dma_start3A_141 = tpu.memref_squeeze %dma_start3A_140 : memref<1x128xi32, #tpu.memory_space<vmem>> -> memref<128xi32, #tpu.memory_space<vmem>>
    %dma_start3A_142 = arith.constant 0 : i32
    %dma_start3A_143 = arith.constant 0 : i32
    %dma_start3A_144 = tpu.memref_slice %arg4[%dma_start3A_142, %dma_start3A_143] : memref<10000x128xf32, #tpu.memory_space<hbm>> -> memref<10000x128xf32, #tpu.memory_space<hbm>>
    tpu.enqueue_indirect_dma source(%dma_start3A_144 : memref<10000x128xf32, #tpu.memory_space<hbm>>) target(%arg8 : memref<128x128xf32, #tpu.memory_space<vmem>>) offsets(%dma_start3A_141 : memref<128xi32, #tpu.memory_space<vmem>>) semaphore(%arg10 : memref<!tpu.dma_semaphore, #tpu.memory_space<semaphore_mem>>)
    %rem3A_145 = arith.constant 1 : i32
    %rem3A_146 = arith.constant 4 : i32
    %rem3A_147 = arith.remsi %rem3A_145, %rem3A_146 : i32
    %dma_start3A_148 = arith.constant 0 : i32
    %dma_start3A_149 = tpu.memref_slice %arg6[%rem3A_147, %dma_start3A_148] : memref<4x128xi32, #tpu.memory_space<vmem>> -> memref<1x128xi32, #tpu.memory_space<vmem>>
    %dma_start3A_150 = tpu.memref_squeeze %dma_start3A_149 : memref<1x128xi32, #tpu.memory_space<vmem>> -> memref<128xi32, #tpu.memory_space<vmem>>
    %dma_start3A_151 = arith.constant 0 : i32
    %dma_start3A_152 = arith.constant 0 : i32
    %dma_start3A_153 = tpu.memref_slice %arg4[%dma_start3A_151, %dma_start3A_152] : memref<10000x128xf32, #tpu.memory_space<hbm>> -> memref<10000x128xf32, #tpu.memory_space<hbm>>
    tpu.enqueue_indirect_dma source(%dma_start3A_153 : memref<10000x128xf32, #tpu.memory_space<hbm>>) target(%arg9 : memref<128x128xf32, #tpu.memory_space<vmem>>) offsets(%dma_start3A_150 : memref<128xi32, #tpu.memory_space<vmem>>) semaphore(%arg11 : memref<!tpu.dma_semaphore, #tpu.memory_space<semaphore_mem>>)
    %scan3A_154 = arith.constant 0 : i32
    %scan3A_155 = arith.constant 0 : i32
    %scan3A_156 = arith.constant 38 : i32
    %scan3A_157 = arith.addi %scan3A_155, %scan3A_156 : i32
    %scan3A_158 = arith.constant 1 : i32
    %scan3A_159 = scf.for %scan3A_200 = %scan3A_155 to %scan3A_157 step %scan3A_158 iter_args(%scan3A_201 = %scan3A_154) -> (i32)  : i32 {
      %mul3A_202 = arith.constant 2 : i32
      %mul3A_203 = arith.muli %mul3A_202, %scan3A_200 : i32
      %rem3A_204 = arith.constant 4 : i32
      %rem3A_205 = arith.remsi %mul3A_203, %rem3A_204 : i32
      %dma_wait3A_206 = arith.constant 0 : i32
      %dma_wait3A_207 = tpu.memref_slice %arg6[%rem3A_205, %dma_wait3A_206] : memref<4x128xi32, #tpu.memory_space<vmem>> -> memref<1x128xi32, #tpu.memory_space<vmem>>
      %dma_wait3A_208 = tpu.memref_squeeze %dma_wait3A_207 : memref<1x128xi32, #tpu.memory_space<vmem>> -> memref<128xi32, #tpu.memory_space<vmem>>
      %dma_wait3A_209 = arith.constant 0 : i32
      %dma_wait3A_210 = arith.constant 0 : i32
      %dma_wait3A_211 = tpu.memref_slice %arg4[%dma_wait3A_209, %dma_wait3A_210] : memref<10000x128xf32, #tpu.memory_space<hbm>> -> memref<10000x128xf32, #tpu.memory_space<hbm>>
      tpu.wait_indirect_dma semaphore(%arg10 : memref<!tpu.dma_semaphore, #tpu.memory_space<semaphore_mem>>) src(%dma_wait3A_211 : memref<10000x128xf32, #tpu.memory_space<hbm>>) dst(%arg8 : memref<128x128xf32, #tpu.memory_space<vmem>>)
      %rem3A_212 = arith.constant 4 : i32
      %rem3A_213 = arith.remsi %mul3A_203, %rem3A_212 : i32
      "tpu.region"() ({
        %run_scoped3A = tpu.sem_alloc : memref<!tpu.dma_semaphore, #tpu.memory_space<semaphore_mem>>
        %dma_start3A_385 = arith.constant 0 : i32
        %dma_start3A_386 = tpu.memref_slice %arg7[%rem3A_213, %dma_start3A_385] : memref<4x128xi32, #tpu.memory_space<vmem>> -> memref<1x128xi32, #tpu.memory_space<vmem>>
        %dma_start3A_387 = tpu.memref_squeeze %dma_start3A_386 : memref<1x128xi32, #tpu.memory_space<vmem>> -> memref<128xi32, #tpu.memory_space<vmem>>
        %dma_start3A_388 = arith.constant 0 : i32
        %dma_start3A_389 = arith.constant 0 : i32
        %dma_start3A_390 = tpu.memref_slice %arg13[%dma_start3A_388, %dma_start3A_389] : memref<10240x128xf32, #tpu.memory_space<vmem_shared>> -> memref<10240x128xf32, #tpu.memory_space<vmem_shared>>
        tpu.enqueue_indirect_dma source(%arg8 : memref<128x128xf32, #tpu.memory_space<vmem>>) target(%dma_start3A_390 : memref<10240x128xf32, #tpu.memory_space<vmem_shared>>) offsets(%dma_start3A_387 : memref<128xi32, #tpu.memory_space<vmem>>) semaphore(%run_scoped3A : memref<!tpu.dma_semaphore, #tpu.memory_space<semaphore_mem>>) {add = true}
        %dma_wait3A_391 = arith.constant 0 : i32
        %dma_wait3A_392 = tpu.memref_slice %arg7[%rem3A_213, %dma_wait3A_391] : memref<4x128xi32, #tpu.memory_space<vmem>> -> memref<1x128xi32, #tpu.memory_space<vmem>>
        %dma_wait3A_393 = tpu.memref_squeeze %dma_wait3A_392 : memref<1x128xi32, #tpu.memory_space<vmem>> -> memref<128xi32, #tpu.memory_space<vmem>>
        %dma_wait3A_394 = arith.constant 0 : i32
        %dma_wait3A_395 = arith.constant 0 : i32
        %dma_wait3A_396 = tpu.memref_slice %arg13[%dma_wait3A_394, %dma_wait3A_395] : memref<10240x128xf32, #tpu.memory_space<vmem_shared>> -> memref<10240x128xf32, #tpu.memory_space<vmem_shared>>
        tpu.wait_indirect_dma semaphore(%run_scoped3A : memref<!tpu.dma_semaphore, #tpu.memory_space<semaphore_mem>>) src(%arg8 : memref<128x128xf32, #tpu.memory_space<vmem>>) dst(%dma_wait3A_396 : memref<10240x128xf32, #tpu.memory_space<vmem_shared>>)
        tpu.yield
      }) : () -> ()
      %add3A_214 = arith.constant 2 : i32
      %add3A_215 = arith.addi %mul3A_203, %add3A_214 : i32
      %rem3A_216 = arith.constant 4 : i32
      %rem3A_217 = arith.remsi %add3A_215, %rem3A_216 : i32
      %dma_start3A_218 = arith.constant 0 : i32
      %dma_start3A_219 = tpu.memref_slice %arg6[%rem3A_217, %dma_start3A_218] : memref<4x128xi32, #tpu.memory_space<vmem>> -> memref<1x128xi32, #tpu.memory_space<vmem>>
      %dma_start3A_220 = tpu.memref_squeeze %dma_start3A_219 : memref<1x128xi32, #tpu.memory_space<vmem>> -> memref<128xi32, #tpu.memory_space<vmem>>
      %dma_start3A_221 = arith.constant 0 : i32
      %dma_start3A_222 = arith.constant 0 : i32
      %dma_start3A_223 = tpu.memref_slice %arg4[%dma_start3A_221, %dma_start3A_222] : memref<10000x128xf32, #tpu.memory_space<hbm>> -> memref<10000x128xf32, #tpu.memory_space<hbm>>
      tpu.enqueue_indirect_dma source(%dma_start3A_223 : memref<10000x128xf32, #tpu.memory_space<hbm>>) target(%arg8 : memref<128x128xf32, #tpu.memory_space<vmem>>) offsets(%dma_start3A_220 : memref<128xi32, #tpu.memory_space<vmem>>) semaphore(%arg10 : memref<!tpu.dma_semaphore, #tpu.memory_space<semaphore_mem>>)
      %add3A_224 = arith.constant 1 : i32
      %add3A_225 = arith.addi %mul3A_203, %add3A_224 : i32
      %rem3A_226 = arith.constant 4 : i32
      %rem3A_227 = arith.remsi %add3A_225, %rem3A_226 : i32
      %dma_wait3A_228 = arith.constant 0 : i32
      %dma_wait3A_229 = tpu.memref_slice %arg6[%rem3A_227, %dma_wait3A_228] : memref<4x128xi32, #tpu.memory_space<vmem>> -> memref<1x128xi32, #tpu.memory_space<vmem>>
      %dma_wait3A_230 = tpu.memref_squeeze %dma_wait3A_229 : memref<1x128xi32, #tpu.memory_space<vmem>> -> memref<128xi32, #tpu.memory_space<vmem>>
      %dma_wait3A_231 = arith.constant 0 : i32
      %dma_wait3A_232 = arith.constant 0 : i32
      %dma_wait3A_233 = tpu.memref_slice %arg4[%dma_wait3A_231, %dma_wait3A_232] : memref<10000x128xf32, #tpu.memory_space<hbm>> -> memref<10000x128xf32, #tpu.memory_space<hbm>>
      tpu.wait_indirect_dma semaphore(%arg11 : memref<!tpu.dma_semaphore, #tpu.memory_space<semaphore_mem>>) src(%dma_wait3A_233 : memref<10000x128xf32, #tpu.memory_space<hbm>>) dst(%arg9 : memref<128x128xf32, #tpu.memory_space<vmem>>)
      %add3A_234 = arith.constant 1 : i32
      %add3A_235 = arith.addi %mul3A_203, %add3A_234 : i32
      %rem3A_236 = arith.constant 4 : i32
      %rem3A_237 = arith.remsi %add3A_235, %rem3A_236 : i32
      "tpu.region"() ({
        %run_scoped3A = tpu.sem_alloc : memref<!tpu.dma_semaphore, #tpu.memory_space<semaphore_mem>>
        %dma_start3A_385 = arith.constant 0 : i32
        %dma_start3A_386 = tpu.memref_slice %arg7[%rem3A_237, %dma_start3A_385] : memref<4x128xi32, #tpu.memory_space<vmem>> -> memref<1x128xi32, #tpu.memory_space<vmem>>
        %dma_start3A_387 = tpu.memref_squeeze %dma_start3A_386 : memref<1x128xi32, #tpu.memory_space<vmem>> -> memref<128xi32, #tpu.memory_space<vmem>>
        %dma_start3A_388 = arith.constant 0 : i32
        %dma_start3A_389 = arith.constant 0 : i32
        %dma_start3A_390 = tpu.memref_slice %arg13[%dma_start3A_388, %dma_start3A_389] : memref<10240x128xf32, #tpu.memory_space<vmem_shared>> -> memref<10240x128xf32, #tpu.memory_space<vmem_shared>>
        tpu.enqueue_indirect_dma source(%arg9 : memref<128x128xf32, #tpu.memory_space<vmem>>) target(%dma_start3A_390 : memref<10240x128xf32, #tpu.memory_space<vmem_shared>>) offsets(%dma_start3A_387 : memref<128xi32, #tpu.memory_space<vmem>>) semaphore(%run_scoped3A : memref<!tpu.dma_semaphore, #tpu.memory_space<semaphore_mem>>) {add = true}
        %dma_wait3A_391 = arith.constant 0 : i32
        %dma_wait3A_392 = tpu.memref_slice %arg7[%rem3A_237, %dma_wait3A_391] : memref<4x128xi32, #tpu.memory_space<vmem>> -> memref<1x128xi32, #tpu.memory_space<vmem>>
        %dma_wait3A_393 = tpu.memref_squeeze %dma_wait3A_392 : memref<1x128xi32, #tpu.memory_space<vmem>> -> memref<128xi32, #tpu.memory_space<vmem>>
        %dma_wait3A_394 = arith.constant 0 : i32
        %dma_wait3A_395 = arith.constant 0 : i32
        %dma_wait3A_396 = tpu.memref_slice %arg13[%dma_wait3A_394, %dma_wait3A_395] : memref<10240x128xf32, #tpu.memory_space<vmem_shared>> -> memref<10240x128xf32, #tpu.memory_space<vmem_shared>>
        tpu.wait_indirect_dma semaphore(%run_scoped3A : memref<!tpu.dma_semaphore, #tpu.memory_space<semaphore_mem>>) src(%arg9 : memref<128x128xf32, #tpu.memory_space<vmem>>) dst(%dma_wait3A_396 : memref<10240x128xf32, #tpu.memory_space<vmem_shared>>)
        tpu.yield
      }) : () -> ()
      %add3A_238 = arith.constant 3 : i32
      %add3A_239 = arith.addi %mul3A_203, %add3A_238 : i32
      %rem3A_240 = arith.constant 4 : i32
      %rem3A_241 = arith.remsi %add3A_239, %rem3A_240 : i32
      %dma_start3A_242 = arith.constant 0 : i32
      %dma_start3A_243 = tpu.memref_slice %arg6[%rem3A_241, %dma_start3A_242] : memref<4x128xi32, #tpu.memory_space<vmem>> -> memref<1x128xi32, #tpu.memory_space<vmem>>
      %dma_start3A_244 = tpu.memref_squeeze %dma_start3A_243 : memref<1x128xi32, #tpu.memory_space<vmem>> -> memref<128xi32, #tpu.memory_space<vmem>>
      %dma_start3A_245 = arith.constant 0 : i32
      %dma_start3A_246 = arith.constant 0 : i32
      %dma_start3A_247 = tpu.memref_slice %arg4[%dma_start3A_245, %dma_start3A_246] : memref<10000x128xf32, #tpu.memory_space<hbm>> -> memref<10000x128xf32, #tpu.memory_space<hbm>>
      tpu.enqueue_indirect_dma source(%dma_start3A_247 : memref<10000x128xf32, #tpu.memory_space<hbm>>) target(%arg9 : memref<128x128xf32, #tpu.memory_space<vmem>>) offsets(%dma_start3A_244 : memref<128xi32, #tpu.memory_space<vmem>>) semaphore(%arg11 : memref<!tpu.dma_semaphore, #tpu.memory_space<semaphore_mem>>)
      %add3A_248 = arith.constant 4 : i32
      %add3A_249 = arith.addi %mul3A_203, %add3A_248 : i32
      %rem3A_250 = arith.constant 4 : i32
      %rem3A_251 = arith.remsi %add3A_249, %rem3A_250 : i32
      %add3A_252 = arith.addi %add3A_4, %add3A_249 : i32
      %min3A_253 = arith.constant 2499 : i32
      %min3A_254 = arith.minsi %add3A_252, %min3A_253 : i32
      %dma_start3A_255 = arith.constant 0 : i32
      %dma_start3A_256 = tpu.memref_slice %arg6[%rem3A_251, %dma_start3A_255] : memref<4x128xi32, #tpu.memory_space<vmem>> -> memref<1x128xi32, #tpu.memory_space<vmem>>
      %dma_start3A_257 = arith.constant 0 : i32
      %dma_start3A_258 = arith.constant 0 : i32
      %dma_start3A_259 = tpu.memref_slice %arg2[%min3A_254, %dma_start3A_257, %dma_start3A_258] : memref<2500x1x128xi32, #tpu.memory_space<hbm>> -> memref<1x1x128xi32, #tpu.memory_space<hbm>>
      %dma_start3A_260 = tpu.memref_squeeze %dma_start3A_259 : memref<1x1x128xi32, #tpu.memory_space<hbm>> -> memref<1x128xi32, #tpu.memory_space<hbm>>
      %dma_start3A_261 = arith.constant 0 : i32
      %dma_start3A_262 = tpu.memref_slice %arg6[%rem3A_251, %dma_start3A_261] : memref<4x128xi32, #tpu.memory_space<vmem>> -> memref<1x128xi32, #tpu.memory_space<vmem>>
      %dma_start3A_263 = arith.constant 0 : i32
      %dma_start3A_264 = arith.constant 0 : i32
      %dma_start3A_265 = tpu.memref_slice %arg2[%min3A_254, %dma_start3A_263, %dma_start3A_264] : memref<2500x1x128xi32, #tpu.memory_space<hbm>> -> memref<1x1x128xi32, #tpu.memory_space<hbm>>
      %dma_start3A_266 = tpu.memref_squeeze %dma_start3A_265 : memref<1x1x128xi32, #tpu.memory_space<hbm>> -> memref<1x128xi32, #tpu.memory_space<hbm>>
      tpu.enqueue_dma source(%dma_start3A_266 : memref<1x128xi32, #tpu.memory_space<hbm>>) target(%dma_start3A_262 : memref<1x128xi32, #tpu.memory_space<vmem>>) target_semaphore(%arg12 : memref<!tpu.dma_semaphore, #tpu.memory_space<semaphore_mem>>)
      %add3A_267 = arith.addi %add3A_4, %add3A_249 : i32
      %min3A_268 = arith.constant 2499 : i32
      %min3A_269 = arith.minsi %add3A_267, %min3A_268 : i32
      %dma_start3A_270 = arith.constant 0 : i32
      %dma_start3A_271 = tpu.memref_slice %arg7[%rem3A_251, %dma_start3A_270] : memref<4x128xi32, #tpu.memory_space<vmem>> -> memref<1x128xi32, #tpu.memory_space<vmem>>
      %dma_start3A_272 = arith.constant 0 : i32
      %dma_start3A_273 = arith.constant 0 : i32
      %dma_start3A_274 = tpu.memref_slice %arg3[%min3A_269, %dma_start3A_272, %dma_start3A_273] : memref<2500x1x128xi32, #tpu.memory_space<hbm>> -> memref<1x1x128xi32, #tpu.memory_space<hbm>>
      %dma_start3A_275 = tpu.memref_squeeze %dma_start3A_274 : memref<1x1x128xi32, #tpu.memory_space<hbm>> -> memref<1x128xi32, #tpu.memory_space<hbm>>
      %dma_start3A_276 = arith.constant 0 : i32
      %dma_start3A_277 = tpu.memref_slice %arg7[%rem3A_251, %dma_start3A_276] : memref<4x128xi32, #tpu.memory_space<vmem>> -> memref<1x128xi32, #tpu.memory_space<vmem>>
      %dma_start3A_278 = arith.constant 0 : i32
      %dma_start3A_279 = arith.constant 0 : i32
      %dma_start3A_280 = tpu.memref_slice %arg3[%min3A_269, %dma_start3A_278, %dma_start3A_279] : memref<2500x1x128xi32, #tpu.memory_space<hbm>> -> memref<1x1x128xi32, #tpu.memory_space<hbm>>
      %dma_start3A_281 = tpu.memref_squeeze %dma_start3A_280 : memref<1x1x128xi32, #tpu.memory_space<hbm>> -> memref<1x128xi32, #tpu.memory_space<hbm>>
      tpu.enqueue_dma source(%dma_start3A_281 : memref<1x128xi32, #tpu.memory_space<hbm>>) target(%dma_start3A_277 : memref<1x128xi32, #tpu.memory_space<vmem>>) target_semaphore(%arg12 : memref<!tpu.dma_semaphore, #tpu.memory_space<semaphore_mem>>)
      %add3A_282 = arith.constant 5 : i32
      %add3A_283 = arith.addi %mul3A_203, %add3A_282 : i32
      %rem3A_284 = arith.constant 4 : i32
      %rem3A_285 = arith.remsi %add3A_283, %rem3A_284 : i32
      %add3A_286 = arith.addi %add3A_4, %add3A_283 : i32
      %min3A_287 = arith.constant 2499 : i32
      %min3A_288 = arith.minsi %add3A_286, %min3A_287 : i32
      %dma_start3A_289 = arith.constant 0 : i32
      %dma_start3A_290 = tpu.memref_slice %arg6[%rem3A_285, %dma_start3A_289] : memref<4x128xi32, #tpu.memory_space<vmem>> -> memref<1x128xi32, #tpu.memory_space<vmem>>
      %dma_start3A_291 = arith.constant 0 : i32
      %dma_start3A_292 = arith.constant 0 : i32
      %dma_start3A_293 = tpu.memref_slice %arg2[%min3A_288, %dma_start3A_291, %dma_start3A_292] : memref<2500x1x128xi32, #tpu.memory_space<hbm>> -> memref<1x1x128xi32, #tpu.memory_space<hbm>>
      %dma_start3A_294 = tpu.memref_squeeze %dma_start3A_293 : memref<1x1x128xi32, #tpu.memory_space<hbm>> -> memref<1x128xi32, #tpu.memory_space<hbm>>
      %dma_start3A_295 = arith.constant 0 : i32
      %dma_start3A_296 = tpu.memref_slice %arg6[%rem3A_285, %dma_start3A_295] : memref<4x128xi32, #tpu.memory_space<vmem>> -> memref<1x128xi32, #tpu.memory_space<vmem>>
      %dma_start3A_297 = arith.constant 0 : i32
      %dma_start3A_298 = arith.constant 0 : i32
      %dma_start3A_299 = tpu.memref_slice %arg2[%min3A_288, %dma_start3A_297, %dma_start3A_298] : memref<2500x1x128xi32, #tpu.memory_space<hbm>> -> memref<1x1x128xi32, #tpu.memory_space<hbm>>
      %dma_start3A_300 = tpu.memref_squeeze %dma_start3A_299 : memref<1x1x128xi32, #tpu.memory_space<hbm>> -> memref<1x128xi32, #tpu.memory_space<hbm>>
      tpu.enqueue_dma source(%dma_start3A_300 : memref<1x128xi32, #tpu.memory_space<hbm>>) target(%dma_start3A_296 : memref<1x128xi32, #tpu.memory_space<vmem>>) target_semaphore(%arg12 : memref<!tpu.dma_semaphore, #tpu.memory_space<semaphore_mem>>)
      %add3A_301 = arith.addi %add3A_4, %add3A_283 : i32
      %min3A_302 = arith.constant 2499 : i32
      %min3A_303 = arith.minsi %add3A_301, %min3A_302 : i32
      %dma_start3A_304 = arith.constant 0 : i32
      %dma_start3A_305 = tpu.memref_slice %arg7[%rem3A_285, %dma_start3A_304] : memref<4x128xi32, #tpu.memory_space<vmem>> -> memref<1x128xi32, #tpu.memory_space<vmem>>
      %dma_start3A_306 = arith.constant 0 : i32
      %dma_start3A_307 = arith.constant 0 : i32
      %dma_start3A_308 = tpu.memref_slice %arg3[%min3A_303, %dma_start3A_306, %dma_start3A_307] : memref<2500x1x128xi32, #tpu.memory_space<hbm>> -> memref<1x1x128xi32, #tpu.memory_space<hbm>>
      %dma_start3A_309 = tpu.memref_squeeze %dma_start3A_308 : memref<1x1x128xi32, #tpu.memory_space<hbm>> -> memref<1x128xi32, #tpu.memory_space<hbm>>
      %dma_start3A_310 = arith.constant 0 : i32
      %dma_start3A_311 = tpu.memref_slice %arg7[%rem3A_285, %dma_start3A_310] : memref<4x128xi32, #tpu.memory_space<vmem>> -> memref<1x128xi32, #tpu.memory_space<vmem>>
      %dma_start3A_312 = arith.constant 0 : i32
      %dma_start3A_313 = arith.constant 0 : i32
      %dma_start3A_314 = tpu.memref_slice %arg3[%min3A_303, %dma_start3A_312, %dma_start3A_313] : memref<2500x1x128xi32, #tpu.memory_space<hbm>> -> memref<1x1x128xi32, #tpu.memory_space<hbm>>
      %dma_start3A_315 = tpu.memref_squeeze %dma_start3A_314 : memref<1x1x128xi32, #tpu.memory_space<hbm>> -> memref<1x128xi32, #tpu.memory_space<hbm>>
      tpu.enqueue_dma source(%dma_start3A_315 : memref<1x128xi32, #tpu.memory_space<hbm>>) target(%dma_start3A_311 : memref<1x128xi32, #tpu.memory_space<vmem>>) target_semaphore(%arg12 : memref<!tpu.dma_semaphore, #tpu.memory_space<semaphore_mem>>)
      %add3A_316 = arith.constant 4 : i32
      %add3A_317 = arith.addi %mul3A_203, %add3A_316 : i32
      %rem3A_318 = arith.constant 4 : i32
      %rem3A_319 = arith.remsi %add3A_317, %rem3A_318 : i32
      %add3A_320 = arith.addi %add3A_4, %add3A_317 : i32
      %min3A_321 = arith.constant 2499 : i32
      %min3A_322 = arith.minsi %add3A_320, %min3A_321 : i32
      %dma_wait3A_323 = arith.constant 0 : i32
      %dma_wait3A_324 = tpu.memref_slice %arg6[%rem3A_319, %dma_wait3A_323] : memref<4x128xi32, #tpu.memory_space<vmem>> -> memref<1x128xi32, #tpu.memory_space<vmem>>
      %dma_wait3A_325 = arith.constant 0 : i32
      %dma_wait3A_326 = arith.constant 0 : i32
      %dma_wait3A_327 = tpu.memref_slice %arg2[%min3A_322, %dma_wait3A_325, %dma_wait3A_326] : memref<2500x1x128xi32, #tpu.memory_space<hbm>> -> memref<1x1x128xi32, #tpu.memory_space<hbm>>
      %dma_wait3A_328 = tpu.memref_squeeze %dma_wait3A_327 : memref<1x1x128xi32, #tpu.memory_space<hbm>> -> memref<1x128xi32, #tpu.memory_space<hbm>>
      %dma_wait3A_329 = arith.constant 0 : i32
      %dma_wait3A_330 = tpu.memref_slice %arg6[%rem3A_319, %dma_wait3A_329] : memref<4x128xi32, #tpu.memory_space<vmem>> -> memref<1x128xi32, #tpu.memory_space<vmem>>
      %dma_wait3A_331 = arith.constant 0 : i32
      %dma_wait3A_332 = arith.constant 0 : i32
      %dma_wait3A_333 = tpu.memref_slice %arg2[%min3A_322, %dma_wait3A_331, %dma_wait3A_332] : memref<2500x1x128xi32, #tpu.memory_space<hbm>> -> memref<1x1x128xi32, #tpu.memory_space<hbm>>
      %dma_wait3A_334 = tpu.memref_squeeze %dma_wait3A_333 : memref<1x1x128xi32, #tpu.memory_space<hbm>> -> memref<1x128xi32, #tpu.memory_space<hbm>>
      tpu.wait_dma2 semaphore(%arg12 : memref<!tpu.dma_semaphore, #tpu.memory_space<semaphore_mem>>) src(%dma_wait3A_334 : memref<1x128xi32, #tpu.memory_space<hbm>>) dst(%dma_wait3A_330 : memref<1x128xi32, #tpu.memory_space<vmem>>)
      %add3A_335 = arith.addi %add3A_4, %add3A_317 : i32
      %min3A_336 = arith.constant 2499 : i32
      %min3A_337 = arith.minsi %add3A_335, %min3A_336 : i32
      %dma_wait3A_338 = arith.constant 0 : i32
      %dma_wait3A_339 = tpu.memref_slice %arg7[%rem3A_319, %dma_wait3A_338] : memref<4x128xi32, #tpu.memory_space<vmem>> -> memref<1x128xi32, #tpu.memory_space<vmem>>
      %dma_wait3A_340 = arith.constant 0 : i32
      %dma_wait3A_341 = arith.constant 0 : i32
      %dma_wait3A_342 = tpu.memref_slice %arg3[%min3A_337, %dma_wait3A_340, %dma_wait3A_341] : memref<2500x1x128xi32, #tpu.memory_space<hbm>> -> memref<1x1x128xi32, #tpu.memory_space<hbm>>
      %dma_wait3A_343 = tpu.memref_squeeze %dma_wait3A_342 : memref<1x1x128xi32, #tpu.memory_space<hbm>> -> memref<1x128xi32, #tpu.memory_space<hbm>>
      %dma_wait3A_344 = arith.constant 0 : i32
      %dma_wait3A_345 = tpu.memref_slice %arg7[%rem3A_319, %dma_wait3A_344] : memref<4x128xi32, #tpu.memory_space<vmem>> -> memref<1x128xi32, #tpu.memory_space<vmem>>
      %dma_wait3A_346 = arith.constant 0 : i32
      %dma_wait3A_347 = arith.constant 0 : i32
      %dma_wait3A_348 = tpu.memref_slice %arg3[%min3A_337, %dma_wait3A_346, %dma_wait3A_347] : memref<2500x1x128xi32, #tpu.memory_space<hbm>> -> memref<1x1x128xi32, #tpu.memory_space<hbm>>
      %dma_wait3A_349 = tpu.memref_squeeze %dma_wait3A_348 : memref<1x1x128xi32, #tpu.memory_space<hbm>> -> memref<1x128xi32, #tpu.memory_space<hbm>>
      tpu.wait_dma2 semaphore(%arg12 : memref<!tpu.dma_semaphore, #tpu.memory_space<semaphore_mem>>) src(%dma_wait3A_349 : memref<1x128xi32, #tpu.memory_space<hbm>>) dst(%dma_wait3A_345 : memref<1x128xi32, #tpu.memory_space<vmem>>)
      %add3A_350 = arith.constant 5 : i32
      %add3A_351 = arith.addi %mul3A_203, %add3A_350 : i32
      %rem3A_352 = arith.constant 4 : i32
      %rem3A_353 = arith.remsi %add3A_351, %rem3A_352 : i32
      %add3A_354 = arith.addi %add3A_4, %add3A_351 : i32
      %min3A_355 = arith.constant 2499 : i32
      %min3A_356 = arith.minsi %add3A_354, %min3A_355 : i32
      %dma_wait3A_357 = arith.constant 0 : i32
      %dma_wait3A_358 = tpu.memref_slice %arg6[%rem3A_353, %dma_wait3A_357] : memref<4x128xi32, #tpu.memory_space<vmem>> -> memref<1x128xi32, #tpu.memory_space<vmem>>
      %dma_wait3A_359 = arith.constant 0 : i32
      %dma_wait3A_360 = arith.constant 0 : i32
      %dma_wait3A_361 = tpu.memref_slice %arg2[%min3A_356, %dma_wait3A_359, %dma_wait3A_360] : memref<2500x1x128xi32, #tpu.memory_space<hbm>> -> memref<1x1x128xi32, #tpu.memory_space<hbm>>
      %dma_wait3A_362 = tpu.memref_squeeze %dma_wait3A_361 : memref<1x1x128xi32, #tpu.memory_space<hbm>> -> memref<1x128xi32, #tpu.memory_space<hbm>>
      %dma_wait3A_363 = arith.constant 0 : i32
      %dma_wait3A_364 = tpu.memref_slice %arg6[%rem3A_353, %dma_wait3A_363] : memref<4x128xi32, #tpu.memory_space<vmem>> -> memref<1x128xi32, #tpu.memory_space<vmem>>
      %dma_wait3A_365 = arith.constant 0 : i32
      %dma_wait3A_366 = arith.constant 0 : i32
      %dma_wait3A_367 = tpu.memref_slice %arg2[%min3A_356, %dma_wait3A_365, %dma_wait3A_366] : memref<2500x1x128xi32, #tpu.memory_space<hbm>> -> memref<1x1x128xi32, #tpu.memory_space<hbm>>
      %dma_wait3A_368 = tpu.memref_squeeze %dma_wait3A_367 : memref<1x1x128xi32, #tpu.memory_space<hbm>> -> memref<1x128xi32, #tpu.memory_space<hbm>>
      tpu.wait_dma2 semaphore(%arg12 : memref<!tpu.dma_semaphore, #tpu.memory_space<semaphore_mem>>) src(%dma_wait3A_368 : memref<1x128xi32, #tpu.memory_space<hbm>>) dst(%dma_wait3A_364 : memref<1x128xi32, #tpu.memory_space<vmem>>)
      %add3A_369 = arith.addi %add3A_4, %add3A_351 : i32
      %min3A_370 = arith.constant 2499 : i32
      %min3A_371 = arith.minsi %add3A_369, %min3A_370 : i32
      %dma_wait3A_372 = arith.constant 0 : i32
      %dma_wait3A_373 = tpu.memref_slice %arg7[%rem3A_353, %dma_wait3A_372] : memref<4x128xi32, #tpu.memory_space<vmem>> -> memref<1x128xi32, #tpu.memory_space<vmem>>
      %dma_wait3A_374 = arith.constant 0 : i32
      %dma_wait3A_375 = arith.constant 0 : i32
      %dma_wait3A_376 = tpu.memref_slice %arg3[%min3A_371, %dma_wait3A_374, %dma_wait3A_375] : memref<2500x1x128xi32, #tpu.memory_space<hbm>> -> memref<1x1x128xi32, #tpu.memory_space<hbm>>
      %dma_wait3A_377 = tpu.memref_squeeze %dma_wait3A_376 : memref<1x1x128xi32, #tpu.memory_space<hbm>> -> memref<1x128xi32, #tpu.memory_space<hbm>>
      %dma_wait3A_378 = arith.constant 0 : i32
      %dma_wait3A_379 = tpu.memref_slice %arg7[%rem3A_353, %dma_wait3A_378] : memref<4x128xi32, #tpu.memory_space<vmem>> -> memref<1x128xi32, #tpu.memory_space<vmem>>
      %dma_wait3A_380 = arith.constant 0 : i32
      %dma_wait3A_381 = arith.constant 0 : i32
      %dma_wait3A_382 = tpu.memref_slice %arg3[%min3A_371, %dma_wait3A_380, %dma_wait3A_381] : memref<2500x1x128xi32, #tpu.memory_space<hbm>> -> memref<1x1x128xi32, #tpu.memory_space<hbm>>
      %dma_wait3A_383 = tpu.memref_squeeze %dma_wait3A_382 : memref<1x1x128xi32, #tpu.memory_space<hbm>> -> memref<1x128xi32, #tpu.memory_space<hbm>>
      tpu.wait_dma2 semaphore(%arg12 : memref<!tpu.dma_semaphore, #tpu.memory_space<semaphore_mem>>) src(%dma_wait3A_383 : memref<1x128xi32, #tpu.memory_space<hbm>>) dst(%dma_wait3A_379 : memref<1x128xi32, #tpu.memory_space<vmem>>)
      %scan3A_384 = arith.constant 0 : i32
      scf.yield %scan3A_384 : i32
    }
    %scan3A_160 = arith.constant 38 : i32
    %rem3A_161 = arith.constant 76 : i32
    %rem3A_162 = arith.constant 4 : i32
    %rem3A_163 = arith.remsi %rem3A_161, %rem3A_162 : i32
    %dma_wait3A_164 = arith.constant 0 : i32
    %dma_wait3A_165 = tpu.memref_slice %arg6[%rem3A_163, %dma_wait3A_164] : memref<4x128xi32, #tpu.memory_space<vmem>> -> memref<1x128xi32, #tpu.memory_space<vmem>>
    %dma_wait3A_166 = tpu.memref_squeeze %dma_wait3A_165 : memref<1x128xi32, #tpu.memory_space<vmem>> -> memref<128xi32, #tpu.memory_space<vmem>>
    %dma_wait3A_167 = arith.constant 0 : i32
    %dma_wait3A_168 = arith.constant 0 : i32
    %dma_wait3A_169 = tpu.memref_slice %arg4[%dma_wait3A_167, %dma_wait3A_168] : memref<10000x128xf32, #tpu.memory_space<hbm>> -> memref<10000x128xf32, #tpu.memory_space<hbm>>
    tpu.wait_indirect_dma semaphore(%arg10 : memref<!tpu.dma_semaphore, #tpu.memory_space<semaphore_mem>>) src(%dma_wait3A_169 : memref<10000x128xf32, #tpu.memory_space<hbm>>) dst(%arg8 : memref<128x128xf32, #tpu.memory_space<vmem>>)
    %rem3A_170 = arith.constant 76 : i32
    %rem3A_171 = arith.constant 4 : i32
    %rem3A_172 = arith.remsi %rem3A_170, %rem3A_171 : i32
    "tpu.region"() ({
      %run_scoped3A = tpu.sem_alloc : memref<!tpu.dma_semaphore, #tpu.memory_space<semaphore_mem>>
      %dma_start3A_200 = arith.constant 0 : i32
      %dma_start3A_201 = tpu.memref_slice %arg7[%rem3A_172, %dma_start3A_200] : memref<4x128xi32, #tpu.memory_space<vmem>> -> memref<1x128xi32, #tpu.memory_space<vmem>>
      %dma_start3A_202 = tpu.memref_squeeze %dma_start3A_201 : memref<1x128xi32, #tpu.memory_space<vmem>> -> memref<128xi32, #tpu.memory_space<vmem>>
      %dma_start3A_203 = arith.constant 0 : i32
      %dma_start3A_204 = arith.constant 0 : i32
      %dma_start3A_205 = tpu.memref_slice %arg13[%dma_start3A_203, %dma_start3A_204] : memref<10240x128xf32, #tpu.memory_space<vmem_shared>> -> memref<10240x128xf32, #tpu.memory_space<vmem_shared>>
      tpu.enqueue_indirect_dma source(%arg8 : memref<128x128xf32, #tpu.memory_space<vmem>>) target(%dma_start3A_205 : memref<10240x128xf32, #tpu.memory_space<vmem_shared>>) offsets(%dma_start3A_202 : memref<128xi32, #tpu.memory_space<vmem>>) semaphore(%run_scoped3A : memref<!tpu.dma_semaphore, #tpu.memory_space<semaphore_mem>>) {add = true}
      %dma_wait3A_206 = arith.constant 0 : i32
      %dma_wait3A_207 = tpu.memref_slice %arg7[%rem3A_172, %dma_wait3A_206] : memref<4x128xi32, #tpu.memory_space<vmem>> -> memref<1x128xi32, #tpu.memory_space<vmem>>
      %dma_wait3A_208 = tpu.memref_squeeze %dma_wait3A_207 : memref<1x128xi32, #tpu.memory_space<vmem>> -> memref<128xi32, #tpu.memory_space<vmem>>
      %dma_wait3A_209 = arith.constant 0 : i32
      %dma_wait3A_210 = arith.constant 0 : i32
      %dma_wait3A_211 = tpu.memref_slice %arg13[%dma_wait3A_209, %dma_wait3A_210] : memref<10240x128xf32, #tpu.memory_space<vmem_shared>> -> memref<10240x128xf32, #tpu.memory_space<vmem_shared>>
      tpu.wait_indirect_dma semaphore(%run_scoped3A : memref<!tpu.dma_semaphore, #tpu.memory_space<semaphore_mem>>) src(%arg8 : memref<128x128xf32, #tpu.memory_space<vmem>>) dst(%dma_wait3A_211 : memref<10240x128xf32, #tpu.memory_space<vmem_shared>>)
      tpu.yield
    }) : () -> ()
    %convert_element_type3A = arith.extui %gt3A_7 : i1 to i32
    %cond3A = arith.constant 76 : i32
    %cond3A_173 = arith.constant 0 : i32
    %cond3A_174 = arith.cmpi ne, %convert_element_type3A, %cond3A_173 : i32
    scf.if %cond3A_174 {
      %add3A_200 = arith.constant 2 : i32
      %add3A_201 = arith.addi %cond3A, %add3A_200 : i32
      %rem3A_202 = arith.constant 4 : i32
      %rem3A_203 = arith.remsi %add3A_201, %rem3A_202 : i32
      %dma_start3A_204 = arith.constant 0 : i32
      %dma_start3A_205 = tpu.memref_slice %arg6[%rem3A_203, %dma_start3A_204] : memref<4x128xi32, #tpu.memory_space<vmem>> -> memref<1x128xi32, #tpu.memory_space<vmem>>
      %dma_start3A_206 = tpu.memref_squeeze %dma_start3A_205 : memref<1x128xi32, #tpu.memory_space<vmem>> -> memref<128xi32, #tpu.memory_space<vmem>>
      %dma_start3A_207 = arith.constant 0 : i32
      %dma_start3A_208 = arith.constant 0 : i32
      %dma_start3A_209 = tpu.memref_slice %arg4[%dma_start3A_207, %dma_start3A_208] : memref<10000x128xf32, #tpu.memory_space<hbm>> -> memref<10000x128xf32, #tpu.memory_space<hbm>>
      tpu.enqueue_indirect_dma source(%dma_start3A_209 : memref<10000x128xf32, #tpu.memory_space<hbm>>) target(%arg8 : memref<128x128xf32, #tpu.memory_space<vmem>>) offsets(%dma_start3A_206 : memref<128xi32, #tpu.memory_space<vmem>>) semaphore(%arg10 : memref<!tpu.dma_semaphore, #tpu.memory_space<semaphore_mem>>)
    } else {
    }
    %add3A_175 = arith.constant 76 : i32
    %add3A_176 = arith.constant 1 : i32
    %add3A_177 = arith.addi %add3A_175, %add3A_176 : i32
    %rem3A_178 = arith.constant 4 : i32
    %rem3A_179 = arith.remsi %add3A_177, %rem3A_178 : i32
    %dma_wait3A_180 = arith.constant 0 : i32
    %dma_wait3A_181 = tpu.memref_slice %arg6[%rem3A_179, %dma_wait3A_180] : memref<4x128xi32, #tpu.memory_space<vmem>> -> memref<1x128xi32, #tpu.memory_space<vmem>>
    %dma_wait3A_182 = tpu.memref_squeeze %dma_wait3A_181 : memref<1x128xi32, #tpu.memory_space<vmem>> -> memref<128xi32, #tpu.memory_space<vmem>>
    %dma_wait3A_183 = arith.constant 0 : i32
    %dma_wait3A_184 = arith.constant 0 : i32
    %dma_wait3A_185 = tpu.memref_slice %arg4[%dma_wait3A_183, %dma_wait3A_184] : memref<10000x128xf32, #tpu.memory_space<hbm>> -> memref<10000x128xf32, #tpu.memory_space<hbm>>
    tpu.wait_indirect_dma semaphore(%arg11 : memref<!tpu.dma_semaphore, #tpu.memory_space<semaphore_mem>>) src(%dma_wait3A_185 : memref<10000x128xf32, #tpu.memory_space<hbm>>) dst(%arg9 : memref<128x128xf32, #tpu.memory_space<vmem>>)
    %add3A_186 = arith.constant 76 : i32
    %add3A_187 = arith.constant 1 : i32
    %add3A_188 = arith.addi %add3A_186, %add3A_187 : i32
    %rem3A_189 = arith.constant 4 : i32
    %rem3A_190 = arith.remsi %add3A_188, %rem3A_189 : i32
    "tpu.region"() ({
      %run_scoped3A = tpu.sem_alloc : memref<!tpu.dma_semaphore, #tpu.memory_space<semaphore_mem>>
      %dma_start3A_200 = arith.constant 0 : i32
      %dma_start3A_201 = tpu.memref_slice %arg7[%rem3A_190, %dma_start3A_200] : memref<4x128xi32, #tpu.memory_space<vmem>> -> memref<1x128xi32, #tpu.memory_space<vmem>>
      %dma_start3A_202 = tpu.memref_squeeze %dma_start3A_201 : memref<1x128xi32, #tpu.memory_space<vmem>> -> memref<128xi32, #tpu.memory_space<vmem>>
      %dma_start3A_203 = arith.constant 0 : i32
      %dma_start3A_204 = arith.constant 0 : i32
      %dma_start3A_205 = tpu.memref_slice %arg13[%dma_start3A_203, %dma_start3A_204] : memref<10240x128xf32, #tpu.memory_space<vmem_shared>> -> memref<10240x128xf32, #tpu.memory_space<vmem_shared>>
      tpu.enqueue_indirect_dma source(%arg9 : memref<128x128xf32, #tpu.memory_space<vmem>>) target(%dma_start3A_205 : memref<10240x128xf32, #tpu.memory_space<vmem_shared>>) offsets(%dma_start3A_202 : memref<128xi32, #tpu.memory_space<vmem>>) semaphore(%run_scoped3A : memref<!tpu.dma_semaphore, #tpu.memory_space<semaphore_mem>>) {add = true}
      %dma_wait3A_206 = arith.constant 0 : i32
      %dma_wait3A_207 = tpu.memref_slice %arg7[%rem3A_190, %dma_wait3A_206] : memref<4x128xi32, #tpu.memory_space<vmem>> -> memref<1x128xi32, #tpu.memory_space<vmem>>
      %dma_wait3A_208 = tpu.memref_squeeze %dma_wait3A_207 : memref<1x128xi32, #tpu.memory_space<vmem>> -> memref<128xi32, #tpu.memory_space<vmem>>
      %dma_wait3A_209 = arith.constant 0 : i32
      %dma_wait3A_210 = arith.constant 0 : i32
      %dma_wait3A_211 = tpu.memref_slice %arg13[%dma_wait3A_209, %dma_wait3A_210] : memref<10240x128xf32, #tpu.memory_space<vmem_shared>> -> memref<10240x128xf32, #tpu.memory_space<vmem_shared>>
      tpu.wait_indirect_dma semaphore(%run_scoped3A : memref<!tpu.dma_semaphore, #tpu.memory_space<semaphore_mem>>) src(%arg9 : memref<128x128xf32, #tpu.memory_space<vmem>>) dst(%dma_wait3A_211 : memref<10240x128xf32, #tpu.memory_space<vmem_shared>>)
      tpu.yield
    }) : () -> ()
    %convert_element_type3A_191 = arith.extui %gt3A_7 : i1 to i32
    %cond3A_192 = arith.constant 76 : i32
    %cond3A_193 = arith.constant 0 : i32
    %cond3A_194 = arith.cmpi ne, %convert_element_type3A_191, %cond3A_193 : i32
    scf.if %cond3A_194 {
      %add3A_200 = arith.constant 2 : i32
      %add3A_201 = arith.addi %cond3A_192, %add3A_200 : i32
      %rem3A_202 = arith.constant 4 : i32
      %rem3A_203 = arith.remsi %add3A_201, %rem3A_202 : i32
      %dma_wait3A_204 = arith.constant 0 : i32
      %dma_wait3A_205 = tpu.memref_slice %arg6[%rem3A_203, %dma_wait3A_204] : memref<4x128xi32, #tpu.memory_space<vmem>> -> memref<1x128xi32, #tpu.memory_space<vmem>>
      %dma_wait3A_206 = tpu.memref_squeeze %dma_wait3A_205 : memref<1x128xi32, #tpu.memory_space<vmem>> -> memref<128xi32, #tpu.memory_space<vmem>>
      %dma_wait3A_207 = arith.constant 0 : i32
      %dma_wait3A_208 = arith.constant 0 : i32
      %dma_wait3A_209 = tpu.memref_slice %arg4[%dma_wait3A_207, %dma_wait3A_208] : memref<10000x128xf32, #tpu.memory_space<hbm>> -> memref<10000x128xf32, #tpu.memory_space<hbm>>
      tpu.wait_indirect_dma semaphore(%arg10 : memref<!tpu.dma_semaphore, #tpu.memory_space<semaphore_mem>>) src(%dma_wait3A_209 : memref<10000x128xf32, #tpu.memory_space<hbm>>) dst(%arg8 : memref<128x128xf32, #tpu.memory_space<vmem>>)
      %add3A_210 = arith.constant 2 : i32
      %add3A_211 = arith.addi %cond3A_192, %add3A_210 : i32
      %rem3A_212 = arith.constant 4 : i32
      %rem3A_213 = arith.remsi %add3A_211, %rem3A_212 : i32
      "tpu.region"() ({
        %run_scoped3A = tpu.sem_alloc : memref<!tpu.dma_semaphore, #tpu.memory_space<semaphore_mem>>
        %dma_start3A_214 = arith.constant 0 : i32
        %dma_start3A_215 = tpu.memref_slice %arg7[%rem3A_213, %dma_start3A_214] : memref<4x128xi32, #tpu.memory_space<vmem>> -> memref<1x128xi32, #tpu.memory_space<vmem>>
        %dma_start3A_216 = tpu.memref_squeeze %dma_start3A_215 : memref<1x128xi32, #tpu.memory_space<vmem>> -> memref<128xi32, #tpu.memory_space<vmem>>
        %dma_start3A_217 = arith.constant 0 : i32
        %dma_start3A_218 = arith.constant 0 : i32
        %dma_start3A_219 = tpu.memref_slice %arg13[%dma_start3A_217, %dma_start3A_218] : memref<10240x128xf32, #tpu.memory_space<vmem_shared>> -> memref<10240x128xf32, #tpu.memory_space<vmem_shared>>
        tpu.enqueue_indirect_dma source(%arg8 : memref<128x128xf32, #tpu.memory_space<vmem>>) target(%dma_start3A_219 : memref<10240x128xf32, #tpu.memory_space<vmem_shared>>) offsets(%dma_start3A_216 : memref<128xi32, #tpu.memory_space<vmem>>) semaphore(%run_scoped3A : memref<!tpu.dma_semaphore, #tpu.memory_space<semaphore_mem>>) {add = true}
        %dma_wait3A_220 = arith.constant 0 : i32
        %dma_wait3A_221 = tpu.memref_slice %arg7[%rem3A_213, %dma_wait3A_220] : memref<4x128xi32, #tpu.memory_space<vmem>> -> memref<1x128xi32, #tpu.memory_space<vmem>>
        %dma_wait3A_222 = tpu.memref_squeeze %dma_wait3A_221 : memref<1x128xi32, #tpu.memory_space<vmem>> -> memref<128xi32, #tpu.memory_space<vmem>>
        %dma_wait3A_223 = arith.constant 0 : i32
        %dma_wait3A_224 = arith.constant 0 : i32
        %dma_wait3A_225 = tpu.memref_slice %arg13[%dma_wait3A_223, %dma_wait3A_224] : memref<10240x128xf32, #tpu.memory_space<vmem_shared>> -> memref<10240x128xf32, #tpu.memory_space<vmem_shared>>
        tpu.wait_indirect_dma semaphore(%run_scoped3A : memref<!tpu.dma_semaphore, #tpu.memory_space<semaphore_mem>>) src(%arg8 : memref<128x128xf32, #tpu.memory_space<vmem>>) dst(%dma_wait3A_225 : memref<10240x128xf32, #tpu.memory_space<vmem_shared>>)
        tpu.yield
      }) : () -> ()
    } else {
    }
    %barrier3A_195 = arith.constant 0 : index
    tpu.barrier barrier_id(%barrier3A_195)
    %mul3A_196 = arith.constant 640 : i32
    %mul3A_197 = arith.muli %arg1, %mul3A_196 : i32
    %mul3A_198 = arith.constant 640 : i32
    %mul3A_199 = arith.muli %arg1, %mul3A_198 : i32
    "tpu.region"() ({
      %run_scoped3A = tpu.sem_alloc : memref<!tpu.dma_semaphore, #tpu.memory_space<semaphore_mem>>
      %dma_start3A_200 = arith.constant 0 : i32
      %dma_start3A_201 = tpu.memref_slice %arg5[%arg0, %mul3A_199, %dma_start3A_200] : memref<2x10240x128xf32, #tpu.memory_space<hbm>> -> memref<1x640x128xf32, #tpu.memory_space<hbm>>
      %dma_start3A_202 = tpu.memref_squeeze %dma_start3A_201 : memref<1x640x128xf32, #tpu.memory_space<hbm>> -> memref<640x128xf32, #tpu.memory_space<hbm>>
      %dma_start3A_203 = arith.constant 0 : i32
      %dma_start3A_204 = tpu.memref_slice %arg13[%mul3A_197, %dma_start3A_203] : memref<10240x128xf32, #tpu.memory_space<vmem_shared>> -> memref<640x128xf32, #tpu.memory_space<vmem_shared>>
      tpu.enqueue_dma source(%dma_start3A_204 : memref<640x128xf32, #tpu.memory_space<vmem_shared>>) target(%dma_start3A_202 : memref<640x128xf32, #tpu.memory_space<hbm>>) target_semaphore(%run_scoped3A : memref<!tpu.dma_semaphore, #tpu.memory_space<semaphore_mem>>)
      %dma_wait3A_205 = arith.constant 0 : i32
      %dma_wait3A_206 = tpu.memref_slice %arg5[%arg0, %mul3A_199, %dma_wait3A_205] : memref<2x10240x128xf32, #tpu.memory_space<hbm>> -> memref<1x640x128xf32, #tpu.memory_space<hbm>>
      %dma_wait3A_207 = tpu.memref_squeeze %dma_wait3A_206 : memref<1x640x128xf32, #tpu.memory_space<hbm>> -> memref<640x128xf32, #tpu.memory_space<hbm>>
      %dma_wait3A_208 = arith.constant 0 : i32
      %dma_wait3A_209 = tpu.memref_slice %arg13[%mul3A_197, %dma_wait3A_208] : memref<10240x128xf32, #tpu.memory_space<vmem_shared>> -> memref<640x128xf32, #tpu.memory_space<vmem_shared>>
      tpu.wait_dma2 semaphore(%run_scoped3A : memref<!tpu.dma_semaphore, #tpu.memory_space<semaphore_mem>>) src(%dma_wait3A_209 : memref<640x128xf32, #tpu.memory_space<vmem_shared>>) dst(%dma_wait3A_207 : memref<640x128xf32, #tpu.memory_space<hbm>>)
      tpu.yield
    }) : () -> ()
    return
  }
}

module attributes {stable_mosaic.version = 14 : i64} {
  func.func @_final_body(%arg0: memref<2x10240x128xf32, #tpu.memory_space<vmem>>, %arg1: memref<10000x128xf32, #tpu.memory_space<vmem>>, %arg2: memref<1x10240xf32, #tpu.memory_space<vmem>>, %arg3: memref<1x128xf32, #tpu.memory_space<vmem>>, %arg4: memref<128x128xf32, #tpu.memory_space<vmem>>, %arg5: memref<1x128xf32, #tpu.memory_space<vmem>>, %arg6: memref<10000x128xf32, #tpu.memory_space<vmem>>) attributes {dimension_semantics = [], scalar_prefetch = 0 : i64, scratch_operands = 0 : i64, tpu.core_type = #tpu.core_type<tc>} {
    %get3A = arith.constant 0 : index
    %get3A_0 = arith.constant 0 : index
    %get3A_1 = vector.load %arg2[%get3A, %get3A_0] : memref<1x10240xf32, #tpu.memory_space<vmem>>, vector<1x10240xf32>
    %reshape3A = vector.shape_cast %get3A_1 : vector<1x10240xf32> to vector<10240x1xf32>
    %slice3A = vector.extract_strided_slice %reshape3A {offsets = [0, 0], sizes = [10000, 1], strides = [1, 1]} : vector<10240x1xf32> to vector<10000x1xf32>
    %get3A_2 = arith.constant 0 : index
    %get3A_3 = arith.constant 0 : index
    %get3A_4 = arith.constant 0 : index
    %get3A_5 = vector.load %arg0[%get3A_2, %get3A_3, %get3A_4] : memref<2x10240x128xf32, #tpu.memory_space<vmem>>, vector<1x10000x128xf32>
    %get3A_6 = vector.shape_cast %get3A_5 : vector<1x10000x128xf32> to vector<10000x128xf32>
    %get3A_7 = arith.constant 1 : index
    %get3A_8 = arith.constant 0 : index
    %get3A_9 = arith.constant 0 : index
    %get3A_10 = vector.load %arg0[%get3A_7, %get3A_8, %get3A_9] : memref<2x10240x128xf32, #tpu.memory_space<vmem>>, vector<1x10000x128xf32>
    %get3A_11 = vector.shape_cast %get3A_10 : vector<1x10000x128xf32> to vector<10000x128xf32>
    %add3A = arith.addf %get3A_6, %get3A_11 : vector<10000x128xf32>
    %get3A_12 = arith.constant 0 : index
    %get3A_13 = arith.constant 0 : index
    %get3A_14 = vector.load %arg1[%get3A_12, %get3A_13] : memref<10000x128xf32, #tpu.memory_space<vmem>>, vector<10000x128xf32>
    %add3A_15 = arith.addf %add3A, %get3A_14 : vector<10000x128xf32>
    %mul3A = vector.broadcast %slice3A : vector<10000x1xf32> to vector<10000x128xf32>
    %mul3A_16 = arith.mulf %add3A_15, %mul3A : vector<10000x128xf32>
    %get3A_17 = arith.constant 0 : index
    %get3A_18 = arith.constant 0 : index
    %get3A_19 = vector.load %arg3[%get3A_17, %get3A_18] : memref<1x128xf32, #tpu.memory_space<vmem>>, vector<1x128xf32>
    %add3A_20 = vector.broadcast %get3A_19 : vector<1x128xf32> to vector<10000x128xf32>
    %add3A_21 = arith.addf %mul3A_16, %add3A_20 : vector<10000x128xf32>
    %max3A = arith.constant 0.000000e+00 : f32
    %max3A_22 = vector.broadcast %max3A : f32 to vector<10000x128xf32>
    %max3A_23 = arith.maximumf %add3A_21, %max3A_22 : vector<10000x128xf32>
    %get3A_24 = arith.constant 0 : index
    %get3A_25 = arith.constant 0 : index
    %get3A_26 = vector.load %arg4[%get3A_24, %get3A_25] : memref<128x128xf32, #tpu.memory_space<vmem>>, vector<128x128xf32>
    %dot_general3A = arith.constant dense<0.000000e+00> : vector<10000x128xf32>
    %dot_general3A_27 = tpu.matmul %max3A_23, %get3A_26, %dot_general3A {dimension_numbers = #tpu.dot_dimension_numbers<[1], [1], [0], [0], [0, 0, 1, 0], [], []>, transpose_lhs_hint = false} : vector<10000x128xf32>, vector<128x128xf32>, vector<10000x128xf32> -> vector<10000x128xf32>
    %get3A_28 = arith.constant 0 : index
    %get3A_29 = arith.constant 0 : index
    %get3A_30 = vector.load %arg5[%get3A_28, %get3A_29] : memref<1x128xf32, #tpu.memory_space<vmem>>, vector<1x128xf32>
    %add3A_31 = vector.broadcast %get3A_30 : vector<1x128xf32> to vector<10000x128xf32>
    %add3A_32 = arith.addf %dot_general3A_27, %add3A_31 : vector<10000x128xf32>
    %swap3A = arith.constant 0 : index
    %swap3A_33 = arith.constant 0 : index
    %swap3A_34 = vector.load %arg6[%swap3A, %swap3A_33] : memref<10000x128xf32, #tpu.memory_space<vmem>>, vector<10000x128xf32>
    tpu.vector_store %arg6[%swap3A, %swap3A_33], %add3A_32 {strides = array<i32>} : memref<10000x128xf32, #tpu.memory_space<vmem>>, vector<10000x128xf32>,
    return
  }
}

module attributes {stable_mosaic.version = 14 : i64} {
  func.func @_prep_body(%arg0: memref<10000x128xf32, #tpu.memory_space<vmem>>, %arg1: memref<128x128xf32, #tpu.memory_space<vmem>>, %arg2: memref<2x10240xf32, #tpu.memory_space<vmem>>, %arg3: memref<10000x128xf32, #tpu.memory_space<vmem>>, %arg4: memref<1x10240xf32, #tpu.memory_space<vmem>>) attributes {dimension_semantics = [], scalar_prefetch = 0 : i64, scratch_operands = 0 : i64, tpu.core_type = #tpu.core_type<tc>} {
    %get3A = arith.constant 0 : index
    %get3A_0 = arith.constant 0 : index
    %get3A_1 = vector.load %arg2[%get3A, %get3A_0] : memref<2x10240xf32, #tpu.memory_space<vmem>>, vector<1x10240xf32>
    %get3A_2 = arith.constant 1 : index
    %get3A_3 = arith.constant 0 : index
    %get3A_4 = vector.load %arg2[%get3A_2, %get3A_3] : memref<2x10240xf32, #tpu.memory_space<vmem>>, vector<1x10240xf32>
    %add3A = arith.addf %get3A_1, %get3A_4 : vector<1x10240xf32>
    %add3A_5 = arith.constant 1.000000e+00 : f32
    %add3A_6 = vector.broadcast %add3A_5 : f32 to vector<1x10240xf32>
    %add3A_7 = arith.addf %add3A, %add3A_6 : vector<1x10240xf32>
    %rsqrt3A = math.rsqrt %add3A_7 : vector<1x10240xf32>
    %reshape3A = vector.shape_cast %rsqrt3A : vector<1x10240xf32> to vector<10240x1xf32>
    %slice3A = vector.extract_strided_slice %reshape3A {offsets = [0, 0], sizes = [10000, 1], strides = [1, 1]} : vector<10240x1xf32> to vector<10000x1xf32>
    %get3A_8 = arith.constant 0 : index
    %get3A_9 = arith.constant 0 : index
    %get3A_10 = vector.load %arg0[%get3A_8, %get3A_9] : memref<10000x128xf32, #tpu.memory_space<vmem>>, vector<10000x128xf32>
    %get3A_11 = arith.constant 0 : index
    %get3A_12 = arith.constant 0 : index
    %get3A_13 = vector.load %arg1[%get3A_11, %get3A_12] : memref<128x128xf32, #tpu.memory_space<vmem>>, vector<128x128xf32>
    %dot_general3A = arith.constant dense<0.000000e+00> : vector<10000x128xf32>
    %dot_general3A_14 = tpu.matmul %get3A_10, %get3A_13, %dot_general3A {dimension_numbers = #tpu.dot_dimension_numbers<[1], [1], [0], [0], [0, 0, 1, 0], [], []>, transpose_lhs_hint = false} : vector<10000x128xf32>, vector<128x128xf32>, vector<10000x128xf32> -> vector<10000x128xf32>
    %mul3A = vector.broadcast %slice3A : vector<10000x1xf32> to vector<10000x128xf32>
    %mul3A_15 = arith.mulf %dot_general3A_14, %mul3A : vector<10000x128xf32>
    %swap3A = arith.constant 0 : index
    %swap3A_16 = arith.constant 0 : index
    %swap3A_17 = vector.load %arg3[%swap3A, %swap3A_16] : memref<10000x128xf32, #tpu.memory_space<vmem>>, vector<10000x128xf32>
    tpu.vector_store %arg3[%swap3A, %swap3A_16], %mul3A_15 {strides = array<i32>} : memref<10000x128xf32, #tpu.memory_space<vmem>>, vector<10000x128xf32>,
    %swap3A_18 = arith.constant 0 : index
    %swap3A_19 = arith.constant 0 : index
    %swap3A_20 = vector.load %arg4[%swap3A_18, %swap3A_19] : memref<1x10240xf32, #tpu.memory_space<vmem>>, vector<1x10240xf32>
    tpu.vector_store %arg4[%swap3A_18, %swap3A_19], %rsqrt3A {strides = array<i32>} : memref<1x10240xf32, #tpu.memory_space<vmem>>, vector<1x10240xf32>,
    return
  }
}

</mosaic_0001>

<sc_bundles>
// kernel: kernel.6.cloned.1.call-start
scs
__scs_entry_jumppad:
0x0: {  	(pc) =	sbr.rel $0x88, $3  }
0x1: {  	(tag) =	ssettag $0x0;
	lr =	simm.s32 $0x1  }
0x2: {  	[smem:$0x3F9B] =	sst lr;
	_ =	strace $0xD0000000  }
0x3: {  	_ = 	snop  }
0x4: {  	_ = 	snop  }
0x5: {  	_ = 	snop  }
0x6: {  	_ = 	snop  }
0x7: {  	_ = 	snop  }
__scs_overlays_trampoline_lowered:
0x8: {  	[smem:$0x3FAA] =	sst s0  }
0x9: {  	[smem:$0x3FAB] =	sst s1  }
0xa: {  	[smem:$0x3FAC] =	sst s2  }
0xb: {  	[smem:$0x3FAD] =	sst s3  }
0xc: {  	[smem:$0x3FAE] =	sst s4  }
0xd: {  	[smem:$0x3FAF] =	sst s5  }
0xe: {  	[smem:$0x3FB0] =	sst s6  }
0xf: {  	[smem:$0x3FB1] =	sst s7  }
0x10: {  	[smem:$0x3FB2] =	sst s8  }
0x11: {  	[smem:$0x3FB3] =	sst s9;
	s0 =	simm.s32 @!p0 $0x0  }
0x12: {  	s1 =	sld [smem:$0x3F99];
	s0 =	simm.s32 @p0 $0x1  }
0x13: {  	[smem:$0x3FB4] =	sst s0;
	s0 =	simm.s32 @!p1 $0x0  }
0x14: {  	s2 =	sld [smem:$0x3F98];
	s0 =	simm.s32 @p1 $0x1  }
0x15: {  	[smem:$0x3FB5] =	sst s0;
	s0 =	simm.s32 @!p2 $0x0  }
0x16: {  	s3 =	sld [smem:$0x3FDB];
	s0 =	simm.s32 @p2 $0x1  }
0x17: {  	s4 =	simm.s32 $0x1BF5;
	[smem:$0x3FB7] =	sst s0  }
0x18: {  	s0 =	sld [smem:$0x3F9A];
	_ =	swait.ge [sflag:s4], $0x0  }
0x19: {  	s7 =	sld [smem:$0x3F9B]  }
0x1a: {  	s8 =	sadd.s32 $0xFFFFE003, lr  }
0x1b: {  	s9 =	sadd.s32 $0xFFFFFEF7, lr;
	s5 =	simm.s32 $0xFFFFFFFF;
	p2 =	slt.u32 s8, $0xFFFFF086  }
0x1c: {  	p1 =	slt.u32 s9, $0xF7A;
	s5 =	simm.s32 @!p2 $0x0  }
0x1d: {  	s5 =	simm.s32 @p1 $0x1;
	p0 =	seq.s32 s7, s2  }
0x1e: {  	s7 =	smul.u32 @!p0 $0xF7A, s2;
	p2 =	seq.s32 @!p0 s5, $0x0  }
0x1f: {  	s9 =	smul.u32 $0xF7A, s1;
	s8 =	simm.s32 @!p0 $0x1BF5;
	p2 =	por !p2, p0  }
0x20: {  	[sflag:s8] =	ssyncset.s32 @!p0 $0xFFFFF086;
	s6 =	sadd.s32 @!p0 s3, s7;
	s7 =	simm.s32 @!p0 $0x108  }
0x21: {  	s3 =	sadd.s32 s3, s9;
	s6 =	sadd.s32 @!p0 $0x88, s6;
	s7 =	simm.s32 @p2 $0x1082  }
0x22: {  	[simem:s7], [sflag:s8] =	dma.local @!p0 [hbm:s6], $0xF7A  }
0x23: {  	s9 =	sor.u32 $0xD0000000, s2;
	s6 =	simm.s32 $0x108;
	_ =	swait.ge @!p0 [sflag:s8], $0x0  }
0x24: {  	s3 =	sadd.s32 $0x88, s3;
	s6 =	simm.s32 @!p1 $0x1082;
	[sflag:s4] =	ssyncset.s32 $0xFFFFF086  }
0x25: {  	[simem:s6], [sflag:s4] =	dma.local [hbm:s3], $0xF7A  }
0x26: {  	[smem:$0x3F9B] =	sst s1;
	(tag) =	ssettag s2;
	_ =	strace s9  }
0x27: {  	s1 =	sld [smem:$0x3FAB]  }
0x28: {  	s2 =	sld [smem:$0x3FAC]  }
0x29: {  	s4 =	sld [smem:$0x3FAE]  }
0x2a: {  	p0 =	seq.s32 s5, $0x0;
	s5 =	sld [smem:$0x3FAF]  }
0x2b: {  	s6 =	sld [smem:$0x3FB0]  }
0x2c: {  	s7 =	sld [smem:$0x3FB1]  }
0x2d: {  	s3 =	simm.s32 $0x108;
	s8 =	sld [smem:$0x3FB2]  }
0x2e: {  	s3 =	simm.s32 @!p0 $0x1082;
	s9 =	sld [smem:$0x3FB3]  }
0x2f: {  	lr =	sadd.s32 s0, s3;
	s0 =	sld [smem:$0x3FAA]  }
0x30: {  	s3 =	sld [smem:$0x3FAD]  }
0x31: {  	[smem:$0x3FB6] =	sst s10  }
0x32: {  	s10 =	sld [smem:$0x3FB4];
	_ =	sdelay $0x3  }
0x33: {  	p0 =	seq.s32 s10, $0x1;
	s10 =	sld [smem:$0x3FB6];
	_ =	sdelay $0x3  }
0x34: {  	[smem:$0x3FB6] =	sst s10  }
0x35: {  	s10 =	sld [smem:$0x3FB5];
	_ =	sdelay $0x3  }
0x36: {  	p1 =	seq.s32 s10, $0x1;
	s10 =	sld [smem:$0x3FB6];
	_ =	sdelay $0x3  }
0x37: {  	[smem:$0x3FB6] =	sst s10  }
0x38: {  	s10 =	sld [smem:$0x3FB7]  }
0x39: {  	_ = 	snop;
	(pc) =	sbr.ind lr, $3  }
0x3a: {  	_ = 	snop  }
0x3b: {  	_ = 	snop  }
0x3c: {  	p2 =	seq.s32 s10, $0x1;
	s10 =	sld [smem:$0x3FB6]  }
0x3d: {  	_ =	shalt  }
0x3e: {  	_ =	shalt  }
0x3f: {  	_ =	shalt  }
0x40: {  	_ =	shalt  }
0x41: {  	_ =	shalt  }
0x42: {  	_ =	shalt  }
0x43: {  	_ =	shalt  }
0x44: {  	_ =	shalt  }
0x45: {  	_ =	shalt  }
0x46: {  	_ =	shalt  }
0x47: {  	_ =	shalt  }
0x48: {  	_ =	shalt  }
0x49: {  	_ =	shalt  }
0x4a: {  	_ =	shalt  }
0x4b: {  	_ =	shalt  }
0x4c: {  	_ =	shalt  }
0x4d: {  	_ =	shalt  }
0x4e: {  	_ =	shalt  }
0x4f: {  	_ =	shalt  }
0x50: {  	_ =	shalt  }
0x51: {  	_ =	shalt  }
0x52: {  	_ =	shalt  }
0x53: {  	_ =	shalt  }
0x54: {  	_ =	shalt  }
0x55: {  	_ =	shalt  }
0x56: {  	_ =	shalt  }
0x57: {  	_ =	shalt  }
0x58: {  	_ =	shalt  }
0x59: {  	_ =	shalt  }
0x5a: {  	_ =	shalt  }
0x5b: {  	_ =	shalt  }
0x5c: {  	_ =	shalt  }
0x5d: {  	_ =	shalt  }
0x5e: {  	_ =	shalt  }
0x5f: {  	_ =	shalt  }
0x60: {  	_ =	shalt  }
0x61: {  	_ =	shalt  }
0x62: {  	_ =	shalt  }
0x63: {  	_ =	shalt  }
0x64: {  	_ =	shalt  }
0x65: {  	_ =	shalt  }
0x66: {  	_ =	shalt  }
0x67: {  	_ =	shalt  }
0x68: {  	_ =	shalt  }
0x69: {  	_ =	shalt  }
0x6a: {  	_ =	shalt  }
0x6b: {  	_ =	shalt  }
0x6c: {  	_ =	shalt  }
0x6d: {  	_ =	shalt  }
0x6e: {  	_ =	shalt  }
0x6f: {  	_ =	shalt  }
0x70: {  	_ =	shalt  }
0x71: {  	_ =	shalt  }
0x72: {  	_ =	shalt  }
0x73: {  	_ =	shalt  }
0x74: {  	_ =	shalt  }
0x75: {  	_ =	shalt  }
0x76: {  	_ =	shalt  }
0x77: {  	_ =	shalt  }
0x78: {  	_ =	shalt  }
0x79: {  	_ =	shalt  }
0x7a: {  	_ =	shalt  }
0x7b: {  	_ =	shalt  }
0x7c: {  	_ =	shalt  }
0x7d: {  	_ =	shalt  }
0x7e: {  	_ =	shalt  }
0x7f: {  	_ =	shalt  }
0x80: {  	_ =	shalt  }
0x81: {  	_ =	shalt  }
0x82: {  	_ =	shalt  }
0x83: {  	_ =	shalt  }
0x84: {  	_ =	shalt  }
0x85: {  	_ =	shalt  }
0x86: {  	_ =	shalt  }
0x87: {  	_ =	shalt  }
.Lfunc_end0:
.L_simem_size_0:
called_computation_lowered:
.L_overlay_start_0:
0x88: {  	s2 =	sld [smem:$0x3FD9]  }
0x89: {  	s3 =	sld [smem:$0x3FFE];
	_ =	sdelay $0x1  }
0x8a: {  	s1 =	srdreg.scid  }
0x8b: {  	s0 =	sand.u32 $0x1, s1  }
0x8c: {  	s17 =	sshll.u32 s0, $0xA;
	s2 =	sadd.s32 s3, s2  }
0x8d: {  	s2 =	sadd.s32 s2, s17  }
0x8e: {  	[smem:$0x3FC2] =	sst s2  }
0x8f: {  	_ = 	snop  }
0x90: {  	s2 =	sld [smem:$0x3FD0];
	(tm) =	ssettm $0x1  }
0x91: {  	s18 =	sld [smem:$0x3FFB];
	_ =	sdelay $0x3  }
0x92: {  	_ =	strace s18  }
0x93: {  	s3 =	sld [smem:$0x3FFC];
	_ =	sdelay $0x3  }
0x94: {  	_ =	strace s3  }
0x95: {  	s3 =	sld [smem:$0x3FFD];
	_ =	sdelay $0x3  }
0x96: {  	_ =	strace s3  }
0x97: {  	_ =	strace $0x8FFFFFFF  }
0x98: {  	s19 =	sld [smem:$0x3FDB];
	_ =	sdelay $0x1  }
0x99: {  	s4 =	simm.s32 $_scs_section_size  }
0x9a: {  	s5 =	simm.s32 $_size__tile_overlayer_lowered;
	s6 =	simm.s32 $_tile_overlayer_lowered  }
0x9b: {  	s22 =	simm.s32 $0x1BFF;
	s21 =	sshll.u32 s6, $0x1;
	s3 =	sadd.s32 s4, s19  }
0x9c: {  	s7 =	simm.s32 $0x0;
	s20 =	sshll.u32 s5, $0x1;
	s5 =	sadd.s32 s21, s3  }
0x9d: {  	[timem:s7], [sflag:s22] =	dma.local [hbm:s5], s20  }
0x9e: {  	_ =	swait.ge [sflag:s22], s20  }
0x9f: {  	s4 =	ssub.s32 $0x0, s20;
	[sflag:s22] =	ssyncset.done $0x0  }
0xa0: {  	[sflag:s22] =	ssyncadd.s32 s4;
	_ =	sdelay $0x1  }
0xa1: {  	s23 =	simm.s32 $0x1B8B  }
0xa2: {  	_ =	swait.ge [sflag:s23], $0x1  }
0xa3: {  	[sflag:s23] =	ssyncset.done $0x0  }
0xa4: {  	s25 =	simm.s32 $0x1B8E;
	s24 =	sld [smem:$0x3FFE];
	[sflag:s23] =	ssyncadd.s32 $0xFFFFFFFF  }
0xa5: {  	s26 =	simm.s32 $execute0_lowered;
	[smem:$0x3FD2] =	sst s25  }
0xa6: {  	s5 =	sshll.u32 s26, $0x1;
	_ =	strace $0x80000046;
	[dreg:$0x1] =	wrdreg $0xFFFFFFFF  }
0xa7: {  	s28 =	simm.s32 $_size_execute0_lowered;
	s3 =	sadd.s32 s3, s5;
	[dreg:$0x0] =	wrdreg $0x0  }
0xa8: {  	s5 =	sshll.u32 s28, $0x1;
	[dreg:$0x2] =	wrdreg s3  }
0xa9: {  	[dreg:$0x3] =	wrdreg s5  }
0xaa: {  	[dreg:$0x4] =	wrdreg $0xC0  }
0xab: {  	_ =	task [dreg:s7], $0x5FFFF  }
0xac: {  	[dreg:$0x1] =	wrdreg $0xFFFFFFFF  }
0xad: {  	[dreg:$0x0] =	wrdreg $0x60  }
0xae: {  	[dreg:$0x2] =	wrdreg s24  }
0xaf: {  	[dreg:$0x3] =	wrdreg s2  }
0xb0: {  	[dreg:$0x4] =	wrdreg $0x2A800  }
0xb1: {  	[dreg:$0x5] =	wrdreg $0x9  }
0xb2: {  	_ =	task.clear_ibuf [dreg:s7], $0x6FFFF;
	_ =	strace $0x90000046  }
0xb3: {  	s29 =	simm.s32 $0x9;
	_ =	strace $0x80000048  }
0xb4: {  	_ =	swait.ge [sflag:s29], $0x1  }
0xb5: {  	[sflag:s29] =	ssyncadd.s32 $0xFFFFFFFF  }
0xb6: {  	_ =	strace $0x90000048  }
0xb7: {  	_ =	sfence  }
0xb8: {  	s30 =	sld [smem:$0x0];
	_ =	sdelay $0x2  }
0xb9: {  	s31 =	sshll.u32 s1, $0xD;
	s1 =	sshrl.u32 s1, $0x2  }
0xba: {  	s3 =	sand.u32 $0x4000, s31;
	s1 =	sadd.s32 s1, s30  }
0xbb: {  	s0 =	sor.u32 s3, s0;
	s1 =	sshll.u32 s1, $0x11  }
0xbc: {  	s0 =	sor.u32 s1, s0  }
0xbd: {  	s0 =	sadd.s32 $0x8F2B, s0  }
0xbe: {  	[sflag:s0] =	ssyncadd.remote.s32 $0x1  }
0xbf: {  	_ =	sfence.sel $0xFFFF  }
0xc0: {  	[dreg:$0x0] =	wrdreg $0xFFFFFFFF;
	(pc) =	sbr.abs _section_cstart, $3  }
0xc1: {  	[dreg:$0x1] =	wrdreg $0xFFFFFFFF  }
0xc2: {  	_ =	task.clear_ibuf [dreg:s7], $0x2FFFF;
	_ =	strace $0x9FFFFFFF  }
0xc3: {  	(tm) =	ssettm $0x7FFFFFFF  }
tec
execute0_lowered:
.L_overlay_start_1:
0x0: {  	(tag) =	ssettag $0x1  }
0x1: {  	s4 =	rddreg [dreg:$0x0]  }
0x2: {  	s8 =	rddreg [dreg:$0x1]  }
0x3: {  	s1 =	rddreg [dreg:$0x2];
	s2 =	srdreg.scid  }
0x4: {  	s0 =	rddreg [dreg:$0x3];
	s3 =	simm.s32 $0x0;
	s14 =	simm.s32 $0x2780  }
0x5: {  	s15 =	simm.s32 $0x1;
	s18 =	simm.s32 $0x20;
	s19 =	simm.s32 $0x10  }
0x6: {  	s20 =	simm.s32 $0x0;
	s5 =	sand.u32 $0x1, s2;
	[smem:$0x7FF] =	sst s3  }
0x7: {  	s2 =	stileid.u32;
	s9 =	sadd.s32 $0x2A00, s4;
	s4 =	simm.s32 $0x4F  }
0x8: {  	s6 =	sshll.u32 s5, $0x4;
	_ =	strace $0x80000047;
	s28 =	smul.u32 $0x500, s2  }
0x9: {  	s7 =	ssub.s32 $0x2, s5;
	s29 =	smul.u32 $0xA00, s2;
	s13 =	sshll.u32 s5, $0x7  }
0xa: {  	s16 =	sshll.u32 s2, $0x6;
	s6 =	sor.u32 s2, s6;
	s10 =	sshrl.u32 s7, $0x1  }
0xb: {  	s16 =	sor.u32 $0x1C02, s16;
	s11 =	smul.u32 $0x4E, s6;
	s12 =	smin.u32 s6, $0x4  }
0xc: {  	p0 =	slt.u32 s6, $0x4;
	s10 =	ssub.s32 s7, s10;
	s30 =	sor.u32 s13, s28  }
0xd: {  	s31 =	sshrl.u32 s29, $0x2;
	s13 =	simm.s32 $0x80;
	s4 =	simm.s32 @!p0 $0x4E  }
0xe: {  	s7 =	sadd.s32 s31, s1;
	s25 =	sadd.s32 s12, s11;
	s11 =	sshrl.u32 s30, $0x3  }
0xf: {  	s12 =	simm.s32 $0x2800;
	s17 =	sshrl.u32 s7, $0x3;
	s6 =	smin.u32 s25, $0x975  }
0x10: {  	s26 =	sshll.u32 s25, $0x4;
	s8 =	sadd.s32 s8, s11;
	s6 =	sshll.u32 s6, $0x4  }
0x11: {  	s11 =	simm.s32 $0x2700;
	s5 =	sadd.s32 s9, s26;
	s6 =	sadd.s32 s9, s6  }
0x12: {  	v0 =	vimm.f32 $1.000000000e+00;
	v1 =	vimm.f32 $0.0e+00;
	s9 =	smax.u32 s10, $0x1;
	s10 =	simm.s32 $0x2;
	s6 =	sadd.s32 $0x4E0, s6  }
.LBB2_1:
0x13: {  	[tilespmem:$0x2780] =	vst v0  }
0x14: {  	[tilespmem:$0x2790] =	vst v0  }
0x15: {  	[tilespmem:$0x27A0] =	vst v0  }
0x16: {  	[tilespmem:$0x27B0] =	vst v0  }
0x17: {  	[tilespmem:$0x27C0] =	vst v0  }
0x18: {  	[tilespmem:$0x27D0] =	vst v0  }
0x19: {  	[tilespmem:$0x27E0] =	vst v0  }
0x1a: {  	[tilespmem:$0x27F0] =	vst v0  }
0x1b: {  	[tilespmem:$0x2800] =	vst v1  }
0x1c: {  	[tilespmem:$0x2810] =	vst v1  }
0x1d: {  	[tilespmem:$0x2820] =	vst v1  }
0x1e: {  	[tilespmem:$0x2830] =	vst v1  }
0x1f: {  	[tilespmem:$0x2840] =	vst v1  }
0x20: {  	[tilespmem:$0x2850] =	vst v1  }
0x21: {  	[tilespmem:$0x2860] =	vst v1  }
0x22: {  	[tilespmem:$0x2870] =	vst v1  }
0x23: {  	[tilespmem:$0x2880] =	vst v1  }
0x24: {  	[tilespmem:$0x2890] =	vst v1  }
0x25: {  	[tilespmem:$0x28A0] =	vst v1  }
0x26: {  	[tilespmem:$0x28B0] =	vst v1  }
0x27: {  	[tilespmem:$0x28C0] =	vst v1  }
0x28: {  	[tilespmem:$0x28D0] =	vst v1  }
0x29: {  	[tilespmem:$0x28E0] =	vst v1  }
0x2a: {  	[tilespmem:$0x28F0] =	vst v1  }
0x2b: {  	[tilespmem:$0x2900] =	vst v1  }
0x2c: {  	[tilespmem:$0x2910] =	vst v1  }
0x2d: {  	[tilespmem:$0x2920] =	vst v1  }
0x2e: {  	[tilespmem:$0x2930] =	vst v1  }
0x2f: {  	[tilespmem:$0x2940] =	vst v1  }
0x30: {  	[tilespmem:$0x2950] =	vst v1  }
0x31: {  	[tilespmem:$0x2960] =	vst v1  }
0x32: {  	[tilespmem:$0x2970] =	vst v1  }
0x33: {  	[tilespmem:$0x2980] =	vst v1  }
0x34: {  	[tilespmem:$0x2990] =	vst v1  }
0x35: {  	[tilespmem:$0x29A0] =	vst v1  }
0x36: {  	[tilespmem:$0x29B0] =	vst v1  }
0x37: {  	[tilespmem:$0x29C0] =	vst v1  }
0x38: {  	[tilespmem:$0x29D0] =	vst v1  }
0x39: {  	[tilespmem:$0x29E0] =	vst v1  }
0x3a: {  	[tilespmem:$0x29F0] =	vst v1  }
0x3b: {  	[tilespmem:$0x2A00] =	vst v1  }
0x3c: {  	[tilespmem:$0x2A10] =	vst v1  }
0x3d: {  	[tilespmem:$0x2A20] =	vst v1  }
0x3e: {  	[tilespmem:$0x2A30] =	vst v1  }
0x3f: {  	[tilespmem:$0x2A40] =	vst v1  }
0x40: {  	[tilespmem:$0x2A50] =	vst v1  }
0x41: {  	[tilespmem:$0x2A60] =	vst v1  }
0x42: {  	[tilespmem:$0x2A70] =	vst v1  }
0x43: {  	[tilespmem:s3], [sflag:$0x2] =	stream.linear.gather [hbm4b:s5+s3], $0x2700, $0x38;
	[tilespmem:$0x2D00] =	vst v63  }
0x44: {  	_ =	swait.ge [sflag:s10], $0x2700  }
0x45: {  	[sflag:s10] =	ssyncset.done $0x0  }
0x46: {  	[sflag:s10] =	ssyncadd.s32 $0xFFFFD900  }
0x47: {  	[tilespmem:s11], [sflag:$0x2] =	stream.linear.gather [hbm4b:s6+s3], $0x80, $0x38;
	[tilespmem:$0x2D00] =	vst v63  }
0x48: {  	_ =	swait.ge [sflag:s10], $0x80  }
0x49: {  	[sflag:s10] =	ssyncset.done $0x0  }
0x4a: {  	p0 =	sne.s32 s4, $0x1;
	[sflag:s10] =	ssyncadd.s32 $0xFFFFFF80  }
0x4b: {  	[spmem:s7] =	stream.linear.scatter [tilespmem:s12], [sflag:$0x2], $0x280, $0x38;
	[tilespmem:$0x2D00] =	vst v63  }
.Ltmp0:
0x4c: {  	_ =	swait.ge [sflag:s10], $0x280;
	(pc) =	sbr.rel @!p0 .LBB2_3-.Ltmp0, $4  }
0x4d: {  	[sflag:s10] =	ssyncset.done $0x0  }
0x4e: {  	[sflag:s10] =	ssyncadd.s32 $0xFFFFFD80  }
0x4f: {  	s21 =	sadd.s32 $0xFFFFFFFF, s4;
	s22 =	simm.s32 $0x0;
	[bflag:$0x0] =	sbarrier.arrive $0xFFFF  }
0x50: {  	[spmem:s1] =	stream.indirect.scatter.add.f32 [tilespmem:s14], [sflag:$0x1], $0x1, s3, s13, $0xb8;
	[tilespmem:$0x2D00] =	vst v63  }
.LBB2_2:
0x51: {  	p1 =	sne.s32 s21, $0x1  }
.Ltmp1:
0x52: {  	_ = 	snop;
	(pc) =	sbr.rel @p1 .LBB2_2-.Ltmp1, $3  }
0x53: {  	_ = 	snop  }
0x54: {  	s21 =	sadd.s32 $0xFFFFFFFF, s21;
	s22 =	sadd.s32 $0x80, s22;
	_ =	sdelay $0x1  }
0x55: {  	[spmem:s1] =	stream.indirect.scatter.add.f32 [tilespmem:s14], [sflag:$0x1], $0x1, s22, s13, $0xb8;
	[tilespmem:$0x2D00] =	vst v63  }
.LBB2_3:
.Ltmp2:
0x56: {  	(pc) =	sbr.rel @!p0 .LBB2_5-.Ltmp2, $3  }
0x57: {  	_ =	sdelay $0x1  }
0x58: {  	_ =	swait.ge [sflag:s15], $0x80  }
0x59: {  	s21 =	sadd.s32 $0xFFFFFFFF, s4;
	[sflag:s15] =	ssyncset.done $0x0  }
.LBB2_4:
0x5a: {  	p0 =	sne.s32 s21, $0x1;
	s21 =	sadd.s32 $0xFFFFFFFF, s21;
	[sflag:s15] =	ssyncadd.s32 $0xFFFFFF80  }
.Ltmp3:
0x5b: {  	(pc) =	sbr.rel @p0 .LBB2_4-.Ltmp3, $3  }
0x5c: {  	_ =	sdelay $0x1  }
0x5d: {  	_ =	swait.ge [sflag:s15], $0x80  }
0x5e: {  	[sflag:s15] =	ssyncset.done $0x0  }
.LBB2_5:
0x5f: {  	s20 =	sadd.s32 $0x1, s20  }
0x60: {  	[sflag:s15] =	ssyncadd.s32 $0xFFFFFF80;
	p0 =	sne.s32 s20, s9  }
.Ltmp4:
0x61: {  	[bflag:$0x0] =	sbarrier.arrive $0xFFFF;
	(pc) =	sbr.rel @p0 .LBB2_1-.Ltmp4, $4  }
0x62: {  	[hbm:s8@s18], [sflag:s16] =	dma.strided [spmem:s17@s19], $0x50, s15, $0x10   }
0x63: {  	_ =	swait.ge [sflag:s10], $0x50  }
0x64: {  	[sflag:s10] =	ssyncset.done $0x0  }
0x65: {  	[sflag:s10] =	ssyncadd.s32 $0xFFFFFFB0  }
0x66: {  	_ =	sfence.sel $0x180000  }
0x67: {  	[bflag:$0x0] =	sbarrier.arrive $0xFFFF  }
0x68: {  	p0 =	sne.s32 s2, $0x0;
	_ =	strace $0x90000047  }
0x69: {  	s0 =	sadd.s32 @!p0 $0x100000, s0;
	[bflag:$0x2] =	sbarrier.arrive $0xFFFF  }
0x6a: {  	[sflag:s0] =	ssyncadd.tile.s32 @!p0 $0x1;
	_ =	shalt  }
.Lfunc_end2:
_tile_overlayer_lowered:
.L_overlay_start_2:
0x6b: {  	(tag) =	ssettag $0x2  }
0x6c: {  	s0 =	rddreg [dreg:$0x0];
	s2 =	stileid.u32  }
0x6d: {  	s1 =	rddreg [dreg:$0x1];
	p0 =	sne.s32 s2, $0x0  }
0x6e: {  	s3 =	rddreg [dreg:$0x2];
	[bflag:$0x3] =	sbarrier.arrive $0xFFFF;
	s2 =	simm.s32 @!p0 $0x1C02  }
0x6f: {  	[timem:s3], [sflag:s2] =	dma.local @!p0 [hbm:s0], s1  }
0x70: {  	s0 =	simm.s32 @!p0 $0x2  }
0x71: {  	_ =	swait.ge @!p0 [sflag:s0], s1  }
0x72: {  	s1 =	ssub.s32 @!p0 $0x0, s1;
	[sflag:s0] =	ssyncset.done @!p0 $0x0  }
0x73: {  	[sflag:s0] =	ssyncadd.s32 @!p0 s1  }
0x74: {  	[bflag:$0x3] =	sbarrier.arrive $0xFFFF  }
0x75: {  	_ =	shalt  }

// kernel: kernel.9.cloned.1.call-start
scs
__scs_entry_jumppad:
0x0: {  	(pc) =	sbr.rel $0x88, $3  }
0x1: {  	(tag) =	ssettag $0x0;
	lr =	simm.s32 $0x1  }
0x2: {  	[smem:$0x3F9B] =	sst lr;
	_ =	strace $0xD0000000  }
0x3: {  	_ = 	snop  }
0x4: {  	_ = 	snop  }
0x5: {  	_ = 	snop  }
0x6: {  	_ = 	snop  }
0x7: {  	_ = 	snop  }
__scs_overlays_trampoline_lowered:
0x8: {  	[smem:$0x3FAA] =	sst s0  }
0x9: {  	[smem:$0x3FAB] =	sst s1  }
0xa: {  	[smem:$0x3FAC] =	sst s2  }
0xb: {  	[smem:$0x3FAD] =	sst s3  }
0xc: {  	[smem:$0x3FAE] =	sst s4  }
0xd: {  	[smem:$0x3FAF] =	sst s5  }
0xe: {  	[smem:$0x3FB0] =	sst s6  }
0xf: {  	[smem:$0x3FB1] =	sst s7  }
0x10: {  	[smem:$0x3FB2] =	sst s8  }
0x11: {  	[smem:$0x3FB3] =	sst s9;
	s0 =	simm.s32 @!p0 $0x0  }
0x12: {  	s1 =	sld [smem:$0x3F99];
	s0 =	simm.s32 @p0 $0x1  }
0x13: {  	[smem:$0x3FB4] =	sst s0;
	s0 =	simm.s32 @!p1 $0x0  }
0x14: {  	s2 =	sld [smem:$0x3F98];
	s0 =	simm.s32 @p1 $0x1  }
0x15: {  	[smem:$0x3FB5] =	sst s0;
	s0 =	simm.s32 @!p2 $0x0  }
0x16: {  	s3 =	sld [smem:$0x3FDB];
	s0 =	simm.s32 @p2 $0x1  }
0x17: {  	s4 =	simm.s32 $0x1BF5;
	[smem:$0x3FB7] =	sst s0  }
0x18: {  	s0 =	sld [smem:$0x3F9A];
	_ =	swait.ge [sflag:s4], $0x0  }
0x19: {  	s7 =	sld [smem:$0x3F9B]  }
0x1a: {  	s8 =	sadd.s32 $0xFFFFE003, lr  }
0x1b: {  	s9 =	sadd.s32 $0xFFFFFEF7, lr;
	s5 =	simm.s32 $0xFFFFFFFF;
	p2 =	slt.u32 s8, $0xFFFFF086  }
0x1c: {  	p1 =	slt.u32 s9, $0xF7A;
	s5 =	simm.s32 @!p2 $0x0  }
0x1d: {  	s5 =	simm.s32 @p1 $0x1;
	p0 =	seq.s32 s7, s2  }
0x1e: {  	s7 =	smul.u32 @!p0 $0xF7A, s2;
	p2 =	seq.s32 @!p0 s5, $0x0  }
0x1f: {  	s9 =	smul.u32 $0xF7A, s1;
	s8 =	simm.s32 @!p0 $0x1BF5;
	p2 =	por !p2, p0  }
0x20: {  	[sflag:s8] =	ssyncset.s32 @!p0 $0xFFFFF086;
	s6 =	sadd.s32 @!p0 s3, s7;
	s7 =	simm.s32 @!p0 $0x108  }
0x21: {  	s3 =	sadd.s32 s3, s9;
	s6 =	sadd.s32 @!p0 $0x88, s6;
	s7 =	simm.s32 @p2 $0x1082  }
0x22: {  	[simem:s7], [sflag:s8] =	dma.local @!p0 [hbm:s6], $0xF7A  }
0x23: {  	s9 =	sor.u32 $0xD0000000, s2;
	s6 =	simm.s32 $0x108;
	_ =	swait.ge @!p0 [sflag:s8], $0x0  }
0x24: {  	s3 =	sadd.s32 $0x88, s3;
	s6 =	simm.s32 @!p1 $0x1082;
	[sflag:s4] =	ssyncset.s32 $0xFFFFF086  }
0x25: {  	[simem:s6], [sflag:s4] =	dma.local [hbm:s3], $0xF7A  }
0x26: {  	[smem:$0x3F9B] =	sst s1;
	(tag) =	ssettag s2;
	_ =	strace s9  }
0x27: {  	s1 =	sld [smem:$0x3FAB]  }
0x28: {  	s2 =	sld [smem:$0x3FAC]  }
0x29: {  	s4 =	sld [smem:$0x3FAE]  }
0x2a: {  	p0 =	seq.s32 s5, $0x0;
	s5 =	sld [smem:$0x3FAF]  }
0x2b: {  	s6 =	sld [smem:$0x3FB0]  }
0x2c: {  	s7 =	sld [smem:$0x3FB1]  }
0x2d: {  	s3 =	simm.s32 $0x108;
	s8 =	sld [smem:$0x3FB2]  }
0x2e: {  	s3 =	simm.s32 @!p0 $0x1082;
	s9 =	sld [smem:$0x3FB3]  }
0x2f: {  	lr =	sadd.s32 s0, s3;
	s0 =	sld [smem:$0x3FAA]  }
0x30: {  	s3 =	sld [smem:$0x3FAD]  }
0x31: {  	[smem:$0x3FB6] =	sst s10  }
0x32: {  	s10 =	sld [smem:$0x3FB4];
	_ =	sdelay $0x3  }
0x33: {  	p0 =	seq.s32 s10, $0x1;
	s10 =	sld [smem:$0x3FB6];
	_ =	sdelay $0x3  }
0x34: {  	[smem:$0x3FB6] =	sst s10  }
0x35: {  	s10 =	sld [smem:$0x3FB5];
	_ =	sdelay $0x3  }
0x36: {  	p1 =	seq.s32 s10, $0x1;
	s10 =	sld [smem:$0x3FB6];
	_ =	sdelay $0x3  }
0x37: {  	[smem:$0x3FB6] =	sst s10  }
0x38: {  	s10 =	sld [smem:$0x3FB7]  }
0x39: {  	_ = 	snop;
	(pc) =	sbr.ind lr, $3  }
0x3a: {  	_ = 	snop  }
0x3b: {  	_ = 	snop  }
0x3c: {  	p2 =	seq.s32 s10, $0x1;
	s10 =	sld [smem:$0x3FB6]  }
0x3d: {  	_ =	shalt  }
0x3e: {  	_ =	shalt  }
0x3f: {  	_ =	shalt  }
0x40: {  	_ =	shalt  }
0x41: {  	_ =	shalt  }
0x42: {  	_ =	shalt  }
0x43: {  	_ =	shalt  }
0x44: {  	_ =	shalt  }
0x45: {  	_ =	shalt  }
0x46: {  	_ =	shalt  }
0x47: {  	_ =	shalt  }
0x48: {  	_ =	shalt  }
0x49: {  	_ =	shalt  }
0x4a: {  	_ =	shalt  }
0x4b: {  	_ =	shalt  }
0x4c: {  	_ =	shalt  }
0x4d: {  	_ =	shalt  }
0x4e: {  	_ =	shalt  }
0x4f: {  	_ =	shalt  }
0x50: {  	_ =	shalt  }
0x51: {  	_ =	shalt  }
0x52: {  	_ =	shalt  }
0x53: {  	_ =	shalt  }
0x54: {  	_ =	shalt  }
0x55: {  	_ =	shalt  }
0x56: {  	_ =	shalt  }
0x57: {  	_ =	shalt  }
0x58: {  	_ =	shalt  }
0x59: {  	_ =	shalt  }
0x5a: {  	_ =	shalt  }
0x5b: {  	_ =	shalt  }
0x5c: {  	_ =	shalt  }
0x5d: {  	_ =	shalt  }
0x5e: {  	_ =	shalt  }
0x5f: {  	_ =	shalt  }
0x60: {  	_ =	shalt  }
0x61: {  	_ =	shalt  }
0x62: {  	_ =	shalt  }
0x63: {  	_ =	shalt  }
0x64: {  	_ =	shalt  }
0x65: {  	_ =	shalt  }
0x66: {  	_ =	shalt  }
0x67: {  	_ =	shalt  }
0x68: {  	_ =	shalt  }
0x69: {  	_ =	shalt  }
0x6a: {  	_ =	shalt  }
0x6b: {  	_ =	shalt  }
0x6c: {  	_ =	shalt  }
0x6d: {  	_ =	shalt  }
0x6e: {  	_ =	shalt  }
0x6f: {  	_ =	shalt  }
0x70: {  	_ =	shalt  }
0x71: {  	_ =	shalt  }
0x72: {  	_ =	shalt  }
0x73: {  	_ =	shalt  }
0x74: {  	_ =	shalt  }
0x75: {  	_ =	shalt  }
0x76: {  	_ =	shalt  }
0x77: {  	_ =	shalt  }
0x78: {  	_ =	shalt  }
0x79: {  	_ =	shalt  }
0x7a: {  	_ =	shalt  }
0x7b: {  	_ =	shalt  }
0x7c: {  	_ =	shalt  }
0x7d: {  	_ =	shalt  }
0x7e: {  	_ =	shalt  }
0x7f: {  	_ =	shalt  }
0x80: {  	_ =	shalt  }
0x81: {  	_ =	shalt  }
0x82: {  	_ =	shalt  }
0x83: {  	_ =	shalt  }
0x84: {  	_ =	shalt  }
0x85: {  	_ =	shalt  }
0x86: {  	_ =	shalt  }
0x87: {  	_ =	shalt  }
.Lfunc_end0:
.L_simem_size_0:
called_computation.1_lowered:
.L_overlay_start_0:
0x88: {  	s2 =	sld [smem:$0x3FD9]  }
0x89: {  	s3 =	sld [smem:$0x3FFE];
	_ =	sdelay $0x1  }
0x8a: {  	s1 =	srdreg.scid  }
0x8b: {  	s0 =	sand.u32 $0x1, s1  }
0x8c: {  	s17 =	sshll.u32 s0, $0xA;
	s2 =	sadd.s32 s3, s2  }
0x8d: {  	s2 =	sadd.s32 s2, s17  }
0x8e: {  	[smem:$0x3FC2] =	sst s2  }
0x8f: {  	_ = 	snop  }
0x90: {  	s2 =	sld [smem:$0x3FD0];
	(tm) =	ssettm $0x1  }
0x91: {  	s18 =	sld [smem:$0x3FFB];
	_ =	sdelay $0x3  }
0x92: {  	_ =	strace s18  }
0x93: {  	s3 =	sld [smem:$0x3FFC];
	_ =	sdelay $0x3  }
0x94: {  	_ =	strace s3  }
0x95: {  	s3 =	sld [smem:$0x3FFD];
	_ =	sdelay $0x3  }
0x96: {  	_ =	strace s3  }
0x97: {  	_ =	strace $0x8FFFFFFF  }
0x98: {  	s19 =	sld [smem:$0x3FDB];
	_ =	sdelay $0x1  }
0x99: {  	s4 =	simm.s32 $_scs_section_size  }
0x9a: {  	s5 =	simm.s32 $_size__tile_overlayer_lowered;
	s6 =	simm.s32 $_tile_overlayer_lowered  }
0x9b: {  	s22 =	simm.s32 $0x1BFF;
	s21 =	sshll.u32 s6, $0x1;
	s3 =	sadd.s32 s4, s19  }
0x9c: {  	s7 =	simm.s32 $0x0;
	s20 =	sshll.u32 s5, $0x1;
	s5 =	sadd.s32 s21, s3  }
0x9d: {  	[timem:s7], [sflag:s22] =	dma.local [hbm:s5], s20  }
0x9e: {  	_ =	swait.ge [sflag:s22], s20  }
0x9f: {  	s4 =	ssub.s32 $0x0, s20;
	[sflag:s22] =	ssyncset.done $0x0  }
0xa0: {  	[sflag:s22] =	ssyncadd.s32 s4;
	_ =	sdelay $0x1  }
0xa1: {  	s23 =	simm.s32 $0x1B8B  }
0xa2: {  	_ =	swait.ge [sflag:s23], $0x1  }
0xa3: {  	[sflag:s23] =	ssyncset.done $0x0  }
0xa4: {  	s25 =	simm.s32 $0x1B8E;
	s24 =	sld [smem:$0x3FFE];
	[sflag:s23] =	ssyncadd.s32 $0xFFFFFFFF  }
0xa5: {  	s26 =	simm.s32 $execute0_lowered;
	[smem:$0x3FD2] =	sst s25  }
0xa6: {  	s5 =	sshll.u32 s26, $0x1;
	_ =	strace $0x80000049;
	[dreg:$0x1] =	wrdreg $0xFFFFFFFF  }
0xa7: {  	s28 =	simm.s32 $_size_execute0_lowered;
	s3 =	sadd.s32 s3, s5;
	[dreg:$0x0] =	wrdreg $0x0  }
0xa8: {  	s5 =	sshll.u32 s28, $0x1;
	[dreg:$0x2] =	wrdreg s3  }
0xa9: {  	[dreg:$0x3] =	wrdreg s5  }
0xaa: {  	[dreg:$0x4] =	wrdreg $0xC0  }
0xab: {  	_ =	task [dreg:s7], $0x5FFFF  }
0xac: {  	[dreg:$0x1] =	wrdreg $0xFFFFFFFF  }
0xad: {  	[dreg:$0x0] =	wrdreg $0x60  }
0xae: {  	[dreg:$0x2] =	wrdreg s24  }
0xaf: {  	[dreg:$0x3] =	wrdreg s2  }
0xb0: {  	[dreg:$0x4] =	wrdreg $0x84000  }
0xb1: {  	[dreg:$0x5] =	wrdreg $0x9  }
0xb2: {  	_ =	task.clear_ibuf [dreg:s7], $0x6FFFF;
	_ =	strace $0x90000049  }
0xb3: {  	s29 =	simm.s32 $0x9;
	_ =	strace $0x8000004B  }
0xb4: {  	_ =	swait.ge [sflag:s29], $0x1  }
0xb5: {  	[sflag:s29] =	ssyncadd.s32 $0xFFFFFFFF  }
0xb6: {  	_ =	strace $0x9000004B  }
0xb7: {  	_ =	sfence  }
0xb8: {  	s30 =	sld [smem:$0x0];
	_ =	sdelay $0x2  }
0xb9: {  	s31 =	sshll.u32 s1, $0xD;
	s1 =	sshrl.u32 s1, $0x2  }
0xba: {  	s3 =	sand.u32 $0x4000, s31;
	s1 =	sadd.s32 s1, s30  }
0xbb: {  	s0 =	sor.u32 s3, s0;
	s1 =	sshll.u32 s1, $0x11  }
0xbc: {  	s0 =	sor.u32 s1, s0  }
0xbd: {  	s0 =	sadd.s32 $0x8F2B, s0  }
0xbe: {  	[sflag:s0] =	ssyncadd.remote.s32 $0x1  }
0xbf: {  	_ =	sfence.sel $0xFFFF  }
0xc0: {  	[dreg:$0x0] =	wrdreg $0xFFFFFFFF;
	(pc) =	sbr.abs _section_cstart, $3  }
0xc1: {  	[dreg:$0x1] =	wrdreg $0xFFFFFFFF  }
0xc2: {  	_ =	task.clear_ibuf [dreg:s7], $0x2FFFF;
	_ =	strace $0x9FFFFFFF  }
0xc3: {  	(tm) =	ssettm $0x7FFFFFFF  }
tec
execute0_lowered:
.L_overlay_start_1:
0x0: {  	(tag) =	ssettag $0x1  }
0x1: {  	s0 =	rddreg [dreg:$0x0]  }
0x2: {  	s2 =	rddreg [dreg:$0x1];
	s1 =	srdreg.scid  }
0x3: {  	s3 =	rddreg [dreg:$0x2];
	s12 =	stileid.u32;
	s4 =	simm.s32 $0x0  }
0x4: {  	s28 =	simm.s32 $0x80;
	s29 =	simm.s32 $0x4400;
	s7 =	smul.u32 $0x14000, s12  }
0x5: {  	s30 =	simm.s32 $0x2;
	s31 =	simm.s32 $0x0;
	s9 =	smul.u32 $0x50000, s12  }
0x6: {  	s1 =	sand.u32 $0x1, s1;
	[smem:$0x7FF] =	sst s4;
	s25 =	smul.u32 $0x4E, s12  }
0x7: {  	s5 =	sadd.s32 $0xC800, s0;
	s6 =	smul.u32 $0x140000, s1;
	_ =	strace $0x8000004A  }
0x8: {  	s8 =	sshll.u32 s1, $0x4;
	s10 =	ssub.s32 $0x2, s1;
	s1 =	smul.u32 $0x4E0, s1  }
0x9: {  	s8 =	sor.u32 s12, s8;
	s9 =	sshrl.u32 s9, $0x2;
	s13 =	sshrl.u32 s10, $0x1  }
0xa: {  	s6 =	sadd.s32 s7, s6;
	s11 =	smul.u32 $0x4E, s8;
	s20 =	smin.u32 s8, $0x4  }
0xb: {  	p0 =	sgt.u32 s8, $0x3;
	s7 =	sshrl.u32 s6, $0x3;
	s6 =	sadd.s32 $0x2A00, s0  }
0xc: {  	s1 =	sor.u32 s1, s20;
	s0 =	sadd.s32 s7, s0;
	s7 =	sadd.s32 s9, s3  }
0xd: {  	s9 =	ssub.s32 s10, s13;
	s14 =	sadd.s32 s20, s11;
	s15 =	sadd.s32 $0x4000, s7  }
0xe: {  	s26 =	sadd.s32 s25, s1;
	s16 =	sadd.s32 $0x8000, s7;
	[dreg:$0x4] =	wrdreg s15  }
0xf: {  	s25 =	simm.s32 $0x4;
	s17 =	sadd.s32 $0xC000, s7;
	[dreg:$0x5] =	wrdreg s16  }
0x10: {  	s1 =	simm.s32 $0x1;
	s18 =	sadd.s32 $0x10000, s7;
	[dreg:$0x6] =	wrdreg s17  }
0x11: {  	s10 =	sshll.u32 s14, $0x4;
	s20 =	sadd.s32 $0x16600, s0;
	[dreg:$0x7] =	wrdreg s18  }
0x12: {  	s19 =	sadd.s32 s5, s10;
	s21 =	sadd.s32 $0x10, s10;
	s13 =	sadd.s32 s6, s10  }
0x13: {  	s16 =	sadd.s32 $0x20, s10;
	s10 =	sadd.s32 $0x30, s10;
	[dreg:$0x8] =	wrdreg s19  }
0x14: {  	s15 =	sadd.s32 $0x4, s26;
	s26 =	simm.s32 $0x200;
	[dreg:$0x9] =	wrdreg s13  }
0x15: {  	s11 =	sand.u32 $0x1FFFFFF0, s21;
	s23 =	sand.u32 $0x1FFFFFF0, s16;
	s10 =	sand.u32 $0x1FFFFFF0, s10  }
0x16: {  	s21 =	smax.u32 s9, $0x1;
	s22 =	sadd.s32 s5, s11;
	s11 =	sadd.s32 s6, s11  }
0x17: {  	s24 =	sadd.s32 s5, s23;
	s17 =	sadd.s32 s6, s23;
	[dreg:$0xa] =	wrdreg s22  }
0x18: {  	s18 =	sadd.s32 s5, s10;
	s19 =	sadd.s32 s6, s10;
	[dreg:$0xb] =	wrdreg s11  }
0x19: {  	v0 =	vimm.f32 $0.0e+00;
	s23 =	simm.s32 $0x400;
	[dreg:$0xc] =	wrdreg s24;
	s24 =	simm.s32 $0x3  }
.LBB2_1:
0x1a: {  	s0 =	sand.u32 $0xFE00, s4  }
0x1b: {  	s8 =	sand.u32 $0x70, s4;
	s10 =	sshrl.u32 s0, $0x2  }
0x1c: {  	s0 =	simm.s32 $0x40;
	s10 =	sor.u32 s8, s10;
	s8 =	simm.s32 $0x0  }
.LBB2_2:
0x1d: {  	p1 =	sne.s32 s0, $0xFFC0  }
0x1e: {  	[tilespmem:s10+$0x400] =	vst v0;
	s8 =	sadd.s32 $0x10, s8;
	s10 =	smov.u32 s0;
	s0 =	sadd.s32 $0x40, s0  }
.Ltmp0:
0x1f: {  	(pc) =	sbr.rel @p1 .LBB2_2-.Ltmp0, $4  }
0x20: {  	_ = 	snop  }
0x21: {  	s10 =	sand.u32 $0xFE00, s10  }
0x22: {  	s11 =	sand.u32 $0x70, s8;
	s10 =	sshrl.u32 s10, $0x2  }
0x23: {  	s10 =	sor.u32 s11, s10  }
0x24: {  	[tilespmem:s10+$0x400] =	vst v0  }
0x25: {  	[spmem:s7] =	stream.linear.scatter [tilespmem:s23], [sflag:$0x3], $0x4000, $0x38;
	[tilespmem:$0x1C400] =	vst v63  }
0x26: {  	s0 =	rddreg [dreg:$0x4]  }
0x27: {  	[spmem:s0] =	stream.linear.scatter [tilespmem:s23], [sflag:$0x3], $0x4000, $0x38;
	[tilespmem:$0x1C400] =	vst v63  }
0x28: {  	s14 =	rddreg [dreg:$0x5]  }
0x29: {  	[spmem:s14] =	stream.linear.scatter [tilespmem:s23], [sflag:$0x3], $0x4000, $0x38;
	[tilespmem:$0x1C400] =	vst v63  }
0x2a: {  	s16 =	rddreg [dreg:$0x6]  }
0x2b: {  	[spmem:s16] =	stream.linear.scatter [tilespmem:s23], [sflag:$0x3], $0x4000, $0x38;
	[tilespmem:$0x1C400] =	vst v63  }
0x2c: {  	s22 =	rddreg [dreg:$0x7]  }
0x2d: {  	[spmem:s22] =	stream.linear.scatter [tilespmem:s23], [sflag:$0x3], $0x4000, $0x38;
	[tilespmem:$0x1C400] =	vst v63  }
0x2e: {  	_ =	swait.ge [sflag:s24], $0x4000  }
0x2f: {  	[sflag:s24] =	ssyncset.done $0x0  }
0x30: {  	[sflag:s24] =	ssyncadd.s32 $0xFFFFC000  }
0x31: {  	_ =	swait.ge [sflag:s24], $0x4000  }
0x32: {  	[sflag:s24] =	ssyncset.done $0x0  }
0x33: {  	[sflag:s24] =	ssyncadd.s32 $0xFFFFC000  }
0x34: {  	_ =	swait.ge [sflag:s24], $0x4000  }
0x35: {  	[sflag:s24] =	ssyncset.done $0x0  }
0x36: {  	[sflag:s24] =	ssyncadd.s32 $0xFFFFC000  }
0x37: {  	_ =	swait.ge [sflag:s24], $0x4000  }
0x38: {  	[sflag:s24] =	ssyncset.done $0x0  }
0x39: {  	[sflag:s24] =	ssyncadd.s32 $0xFFFFC000  }
0x3a: {  	_ =	swait.ge [sflag:s24], $0x4000  }
0x3b: {  	[sflag:s24] =	ssyncset.done $0x0  }
0x3c: {  	[sflag:s24] =	ssyncadd.s32 $0xFFFFC000  }
0x3d: {  	[bflag:$0x0] =	sbarrier.arrive $0xFFFF  }
0x3e: {  	s8 =	rddreg [dreg:$0x8]  }
0x3f: {  	[tilespmem:s4], [sflag:$0x4] =	stream.linear.gather [hbm4b:s8+s4], $0x80, $0x38;
	[tilespmem:$0x1C400] =	vst v63  }
0x40: {  	_ =	swait.ge [sflag:s25], $0x80  }
0x41: {  	[sflag:s25] =	ssyncset.done $0x0  }
0x42: {  	s9 =	rddreg [dreg:$0x9];
	[sflag:s25] =	ssyncadd.s32 $0xFFFFFF80  }
0x43: {  	[tilespmem:s26], [sflag:$0x4] =	stream.linear.gather [hbm4b:s9+s4], $0x80, $0x38;
	[tilespmem:$0x1C400] =	vst v63  }
0x44: {  	_ =	swait.ge [sflag:s25], $0x80  }
0x45: {  	[sflag:s25] =	ssyncset.done $0x0  }
0x46: {  	s10 =	rddreg [dreg:$0xa];
	[sflag:s25] =	ssyncadd.s32 $0xFFFFFF80  }
0x47: {  	[tilespmem:s28], [sflag:$0x4] =	stream.linear.gather [hbm4b:s10+s4], $0x80, $0x38;
	[tilespmem:$0x1C400] =	vst v63  }
0x48: {  	_ =	swait.ge [sflag:s25], $0x80  }
0x49: {  	[sflag:s25] =	ssyncset.done $0x0  }
0x4a: {  	s0 =	simm.s32 $0x280;
	s8 =	rddreg [dreg:$0xb];
	[sflag:s25] =	ssyncadd.s32 $0xFFFFFF80  }
0x4b: {  	[tilespmem:s0], [sflag:$0x4] =	stream.linear.gather [hbm4b:s8+s4], $0x80, $0x38;
	[tilespmem:$0x1C400] =	vst v63  }
0x4c: {  	_ =	swait.ge [sflag:s25], $0x80  }
0x4d: {  	[sflag:s25] =	ssyncset.done $0x0  }
0x4e: {  	s9 =	simm.s32 $0x100;
	s11 =	rddreg [dreg:$0xc];
	[sflag:s25] =	ssyncadd.s32 $0xFFFFFF80  }
0x4f: {  	[tilespmem:s9], [sflag:$0x4] =	stream.linear.gather [hbm4b:s11+s4], $0x80, $0x38;
	[tilespmem:$0x1C400] =	vst v63  }
0x50: {  	_ =	swait.ge [sflag:s25], $0x80  }
0x51: {  	[sflag:s25] =	ssyncset.done $0x0  }
0x52: {  	s12 =	simm.s32 $0x300;
	[sflag:s25] =	ssyncadd.s32 $0xFFFFFF80  }
0x53: {  	[tilespmem:s12], [sflag:$0x4] =	stream.linear.gather [hbm4b:s17+s4], $0x80, $0x38;
	[tilespmem:$0x1C400] =	vst v63  }
0x54: {  	_ =	swait.ge [sflag:s25], $0x80  }
0x55: {  	[sflag:s25] =	ssyncset.done $0x0  }
0x56: {  	s13 =	simm.s32 $0x180;
	[sflag:s25] =	ssyncadd.s32 $0xFFFFFF80  }
0x57: {  	[tilespmem:s13], [sflag:$0x4] =	stream.linear.gather [hbm4b:s18+s4], $0x80, $0x38;
	[tilespmem:$0x1C400] =	vst v63  }
0x58: {  	_ =	swait.ge [sflag:s25], $0x80  }
0x59: {  	[sflag:s25] =	ssyncset.done $0x0  }
0x5a: {  	s14 =	simm.s32 $0x380;
	[sflag:s25] =	ssyncadd.s32 $0xFFFFFF80  }
0x5b: {  	[tilespmem:s14], [sflag:$0x4] =	stream.linear.gather [hbm4b:s19+s4], $0x80, $0x38;
	[tilespmem:$0x1C400] =	vst v63  }
0x5c: {  	_ =	swait.ge [sflag:s25], $0x80  }
0x5d: {  	[sflag:s25] =	ssyncset.done $0x0  }
0x5e: {  	[sflag:s25] =	ssyncadd.s32 $0xFFFFFF80  }
0x5f: {  	[tilespmem:s23], [sflag:$0x1] =	stream.indirect.gather [hbm4b:s2+s28], $0x80, s4, s28, $0xb8;
	[tilespmem:$0x1C400] =	vst v63  }
0x60: {  	s16 =	simm.s32 $0x0  }
0x61: {  	[tilespmem:s29], [sflag:$0x2] =	stream.indirect.gather [hbm4b:s2+s28], $0x80, s28, s28, $0xb8;
	[tilespmem:$0x1C400] =	vst v63  }
0x62: {  	s8 =	sand.u32 $0x400, s16;
	_ =	swait.ge [sflag:s1], $0x4000  }
0x63: {  	s22 =	sshrl.u32 s8, $0x2;
	[sflag:s1] =	ssyncset.done $0x0  }
0x64: {  	s11 =	sor.u32 $0x200, s22;
	[sflag:s1] =	ssyncadd.s32 $0xFFFFC000  }
0x65: {  	[spmem:s3] =	stream.indirect.scatter.add.f32 [tilespmem:s23], [sflag:$0x4], $0x80, s11, s28, $0xb8;
	[tilespmem:$0x1C400] =	vst v63  }
0x66: {  	_ =	swait.ge [sflag:s25], $0x4000  }
0x67: {  	s8 =	sxor.u32 $0x400, s8;
	[sflag:s25] =	ssyncset.done $0x0  }
0x68: {  	s8 =	sshrl.u32 s8, $0x2;
	[sflag:s25] =	ssyncadd.s32 $0xFFFFC000  }
0x69: {  	[tilespmem:s23], [sflag:$0x1] =	stream.indirect.gather [hbm4b:s2+s28], $0x80, s8, s28, $0xb8;
	[tilespmem:$0x1C400] =	vst v63  }
0x6a: {  	p1 =	slt.s32 s15, $0x9C3;
	s10 =	sor.u32 $0x280, s22;
	_ =	swait.ge [sflag:s30], $0x4000  }
0x6b: {  	s9 =	simm.s32 $0x600;
	s11 =	smov.u32 s15;
	[sflag:s30] =	ssyncset.done $0x0  }
0x6c: {  	s12 =	simm.s32 $0x0;
	s11 =	simm.s32 @!p1 $0x9C3;
	[sflag:s30] =	ssyncadd.s32 $0xFFFFC000  }
0x6d: {  	[spmem:s3] =	stream.indirect.scatter.add.f32 [tilespmem:s29], [sflag:$0x4], $0x80, s10, s28, $0xb8;
	[tilespmem:$0x1C400] =	vst v63  }
0x6e: {  	s11 =	sshll.u32 s11, $0x4;
	s8 =	sand.u32 $0x600, s9;
	_ =	swait.ge [sflag:s25], $0x4000  }
0x6f: {  	s10 =	sand.u32 $0x1FFFFFF0, s11;
	s11 =	sadd.s32 $0x1, s15;
	[sflag:s25] =	ssyncset.done $0x0  }
0x70: {  	s8 =	sshrl.u32 s8, $0x2;
	p1 =	slt.s32 s11, $0x9C3;
	[sflag:s25] =	ssyncadd.s32 $0xFFFFC000  }
0x71: {  	[tilespmem:s29], [sflag:$0x2] =	stream.indirect.gather [hbm4b:s2+s28], $0x80, s8, s28, $0xb8;
	[tilespmem:$0x1C400] =	vst v63  }
0x72: {  	s13 =	sand.u32 $0x100, s12;
	s14 =	sadd.s32 s5, s10;
	s11 =	simm.s32 @!p1 $0x9C3  }
0x73: {  	[tilespmem:s13], [sflag:$0x3] =	stream.linear.gather [hbm4b:s14+s4], $0x80, $0x38;
	[tilespmem:$0x1C400] =	vst v63  }
0x74: {  	s10 =	sadd.s32 s6, s10;
	s11 =	sshll.u32 s11, $0x4;
	s8 =	sor.u32 $0x200, s13  }
0x75: {  	[tilespmem:s8], [sflag:$0x3] =	stream.linear.gather [hbm4b:s10+s4], $0x80, $0x38;
	[tilespmem:$0x1C400] =	vst v63  }
0x76: {  	s0 =	sand.u32 $0x180, s0;
	s16 =	sadd.s32 s5, s11  }
0x77: {  	[tilespmem:s0], [sflag:$0x3] =	stream.linear.gather [hbm4b:s16+s4], $0x80, $0x38;
	[tilespmem:$0x1C400] =	vst v63  }
0x78: {  	s22 =	sadd.s32 s6, s11;
	s0 =	sor.u32 $0x200, s0  }
0x79: {  	[tilespmem:s0], [sflag:$0x3] =	stream.linear.gather [hbm4b:s22+s4], $0x80, $0x38;
	[tilespmem:$0x1C400] =	vst v63  }
0x7a: {  	_ =	swait.ge [sflag:s24], $0x80  }
0x7b: {  	[sflag:s24] =	ssyncset.done $0x0  }
0x7c: {  	[sflag:s24] =	ssyncadd.s32 $0xFFFFFF80  }
0x7d: {  	_ =	swait.ge [sflag:s24], $0x80  }
0x7e: {  	[sflag:s24] =	ssyncset.done $0x0  }
0x7f: {  	[sflag:s24] =	ssyncadd.s32 $0xFFFFFF80  }
0x80: {  	s9 =	smov.u32 s15;
	s10 =	simm.s32 $0x480;
	_ =	swait.ge [sflag:s24], $0x80  }
0x81: {  	s8 =	simm.s32 $0xA00;
	s0 =	simm.s32 $0x380;
	[sflag:s24] =	ssyncset.done $0x0  }
.LBB2_4:
0x82: {  	s12 =	sadd.s32 $0xFFFFFA00, s8  }
0x83: {  	[sflag:s24] =	ssyncadd.s32 $0xFFFFFF80;
	s9 =	sadd.s32 $0x2, s9;
	s11 =	smov.u32 s10  }
0x84: {  	p1 =	sne.s32 s10, $0x2780;
	s12 =	sand.u32 $0x400, s12;
	_ =	swait.ge [sflag:s24], $0x80  }
0x85: {  	s13 =	sshrl.u32 s12, $0x2;
	s12 =	sxor.u32 $0x400, s12;
	[sflag:s24] =	ssyncset.done $0x0  }
0x86: {  	s10 =	sadd.s32 $0x100, s10;
	s14 =	sor.u32 $0x200, s13;
	[sflag:s24] =	ssyncadd.s32 $0xFFFFFF80  }
0x87: {  	_ =	swait.ge [sflag:s1], $0x4000  }
0x88: {  	[sflag:s1] =	ssyncset.done $0x0  }
0x89: {  	[sflag:s1] =	ssyncadd.s32 $0xFFFFC000  }
0x8a: {  	[spmem:s3] =	stream.indirect.scatter.add.f32 [tilespmem:s23], [sflag:$0x4], $0x80, s14, s28, $0xb8;
	[tilespmem:$0x1C400] =	vst v63  }
0x8b: {  	_ =	swait.ge [sflag:s25], $0x4000  }
0x8c: {  	p2 =	slt.s32 s9, $0x9C3;
	[sflag:s25] =	ssyncset.done $0x0  }
0x8d: {  	s12 =	sshrl.u32 s12, $0x2;
	s13 =	sor.u32 $0x280, s13;
	[sflag:s25] =	ssyncadd.s32 $0xFFFFC000  }
0x8e: {  	[tilespmem:s23], [sflag:$0x1] =	stream.indirect.gather [hbm4b:s2+s28], $0x80, s12, s28, $0xb8;
	[tilespmem:$0x1C400] =	vst v63  }
0x8f: {  	s22 =	smov.u32 s9;
	s12 =	sadd.s32 $0x1, s9;
	_ =	swait.ge [sflag:s30], $0x4000  }
0x90: {  	s22 =	simm.s32 @!p2 $0x9C3;
	s14 =	sand.u32 $0x600, s8;
	[sflag:s30] =	ssyncset.done $0x0  }
0x91: {  	s22 =	sshll.u32 s22, $0x4;
	p2 =	slt.s32 s12, $0x9C3;
	[sflag:s30] =	ssyncadd.s32 $0xFFFFC000  }
0x92: {  	[spmem:s3] =	stream.indirect.scatter.add.f32 [tilespmem:s29], [sflag:$0x4], $0x80, s13, s28, $0xb8;
	[tilespmem:$0x1C400] =	vst v63  }
0x93: {  	s22 =	sand.u32 $0x1FFFFFF0, s22;
	s13 =	sadd.s32 $0xFFFFFD80, s0;
	_ =	swait.ge [sflag:s25], $0x4000  }
0x94: {  	s16 =	sadd.s32 s5, s22;
	s13 =	sand.u32 $0x100, s13;
	[sflag:s25] =	ssyncset.done $0x0  }
0x95: {  	s14 =	sshrl.u32 s14, $0x2;
	s12 =	simm.s32 @!p2 $0x9C3;
	[sflag:s25] =	ssyncadd.s32 $0xFFFFC000  }
0x96: {  	[tilespmem:s29], [sflag:$0x2] =	stream.indirect.gather [hbm4b:s2+s28], $0x80, s14, s28, $0xb8;
	[tilespmem:$0x1C400] =	vst v63  }
0x97: {  	s12 =	sshll.u32 s12, $0x4  }
0x98: {  	[tilespmem:s13], [sflag:$0x3] =	stream.linear.gather [hbm4b:s16+s4], $0x80, $0x38;
	[tilespmem:$0x1C400] =	vst v63  }
0x99: {  	s0 =	sand.u32 $0x180, s0;
	s14 =	sadd.s32 s6, s22;
	s13 =	sor.u32 $0x200, s13  }
0x9a: {  	[tilespmem:s13], [sflag:$0x3] =	stream.linear.gather [hbm4b:s14+s4], $0x80, $0x38;
	[tilespmem:$0x1C400] =	vst v63  }
0x9b: {  	s13 =	sadd.s32 s5, s12;
	s14 =	sor.u32 $0x200, s0;
	s12 =	sadd.s32 s6, s12  }
0x9c: {  	[tilespmem:s0], [sflag:$0x3] =	stream.linear.gather [hbm4b:s13+s4], $0x80, $0x38;
	[tilespmem:$0x1C400] =	vst v63  }
0x9d: {  	s0 =	smov.u32 s11  }
0x9e: {  	[tilespmem:s14], [sflag:$0x3] =	stream.linear.gather [hbm4b:s12+s4], $0x80, $0x38;
	[tilespmem:$0x1C400] =	vst v63  }
0x9f: {  	_ =	swait.ge [sflag:s24], $0x80  }
0xa0: {  	[sflag:s24] =	ssyncset.done $0x0  }
0xa1: {  	[sflag:s24] =	ssyncadd.s32 $0xFFFFFF80  }
.Ltmp1:
0xa2: {  	_ =	swait.ge [sflag:s24], $0x80;
	(pc) =	sbr.rel @p1 .LBB2_4-.Ltmp1, $4  }
0xa3: {  	[sflag:s24] =	ssyncset.done $0x0  }
0xa4: {  	[sflag:s24] =	ssyncadd.s32 $0xFFFFFF80  }
0xa5: {  	_ =	swait.ge [sflag:s24], $0x80  }
0xa6: {  	s8 =	sadd.s32 $0x400, s8;
	[sflag:s24] =	ssyncset.done $0x0  }
0xa7: {  	[sflag:s24] =	ssyncadd.s32 $0xFFFFFF80  }
0xa8: {  	_ =	swait.ge [sflag:s24], $0x80  }
0xa9: {  	[sflag:s24] =	ssyncset.done $0x0  }
0xaa: {  	s10 =	sadd.s32 $0xFFFFFA00, s8;
	[sflag:s24] =	ssyncadd.s32 $0xFFFFFF80  }
0xab: {  	s10 =	sand.u32 $0x400, s10;
	_ =	swait.ge [sflag:s1], $0x4000  }
0xac: {  	s11 =	sshrl.u32 s10, $0x2;
	[sflag:s1] =	ssyncset.done $0x0  }
0xad: {  	s12 =	sor.u32 $0x200, s11;
	[sflag:s1] =	ssyncadd.s32 $0xFFFFC000  }
0xae: {  	[spmem:s3] =	stream.indirect.scatter.add.f32 [tilespmem:s23], [sflag:$0x4], $0x80, s12, s28, $0xb8;
	[tilespmem:$0x1C400] =	vst v63  }
0xaf: {  	_ =	swait.ge [sflag:s25], $0x4000  }
0xb0: {  	s10 =	sxor.u32 $0x400, s10;
	[sflag:s25] =	ssyncset.done $0x0  }
0xb1: {  	s10 =	sshrl.u32 s10, $0x2;
	[sflag:s25] =	ssyncadd.s32 $0xFFFFC000  }
0xb2: {  	[tilespmem:s23], [sflag:$0x1] =	stream.indirect.gather [hbm4b:s2+s28], $0x80, s10, s28, $0xb8;
	[tilespmem:$0x1C400] =	vst v63  }
0xb3: {  	s9 =	sadd.s32 $0x2, s9;
	_ =	swait.ge [sflag:s30], $0x4000  }
0xb4: {  	s13 =	sand.u32 $0x600, s8;
	s14 =	sadd.s32 $0xFFFFFD80, s0;
	[sflag:s30] =	ssyncset.done $0x0  }
0xb5: {  	p1 =	slt.s32 s9, $0x9C3;
	s11 =	sor.u32 $0x280, s11;
	[sflag:s30] =	ssyncadd.s32 $0xFFFFC000  }
0xb6: {  	[spmem:s3] =	stream.indirect.scatter.add.f32 [tilespmem:s29], [sflag:$0x4], $0x80, s11, s28, $0xb8;
	[tilespmem:$0x1C400] =	vst v63  }
0xb7: {  	s10 =	sadd.s32 $0x1, s9;
	s9 =	simm.s32 @!p1 $0x9C3;
	_ =	swait.ge [sflag:s25], $0x4000  }
0xb8: {  	s8 =	sshrl.u32 s13, $0x2;
	s9 =	sshll.u32 s9, $0x4;
	[sflag:s25] =	ssyncset.done $0x0  }
0xb9: {  	p1 =	slt.s32 s10, $0x9C3;
	s9 =	sand.u32 $0x1FFFFFF0, s9;
	[sflag:s25] =	ssyncadd.s32 $0xFFFFC000  }
0xba: {  	[tilespmem:s29], [sflag:$0x2] =	stream.indirect.gather [hbm4b:s2+s28], $0x80, s8, s28, $0xb8;
	[tilespmem:$0x1C400] =	vst v63  }
0xbb: {  	s16 =	sand.u32 $0x100, s14;
	s10 =	simm.s32 @!p1 $0x9C3;
	s22 =	sadd.s32 s5, s9  }
0xbc: {  	[tilespmem:s16], [sflag:$0x3] =	stream.linear.gather [hbm4b:s22+s4], $0x80, $0x38;
	[tilespmem:$0x1C400] =	vst v63  }
0xbd: {  	s10 =	sshll.u32 s10, $0x4;
	s9 =	sadd.s32 s6, s9;
	s8 =	sor.u32 $0x200, s16  }
0xbe: {  	[tilespmem:s8], [sflag:$0x3] =	stream.linear.gather [hbm4b:s9+s4], $0x80, $0x38;
	[tilespmem:$0x1C400] =	vst v63  }
0xbf: {  	s12 =	sand.u32 $0x180, s0;
	s13 =	sadd.s32 s5, s10  }
0xc0: {  	[tilespmem:s12], [sflag:$0x3] =	stream.linear.gather [hbm4b:s13+s4], $0x80, $0x38;
	[tilespmem:$0x1C400] =	vst v63  }
0xc1: {  	s0 =	sor.u32 $0x200, s12;
	s14 =	sadd.s32 s6, s10  }
0xc2: {  	[tilespmem:s0], [sflag:$0x3] =	stream.linear.gather [hbm4b:s14+s4], $0x80, $0x38;
	[tilespmem:$0x1C400] =	vst v63  }
0xc3: {  	_ =	swait.ge [sflag:s24], $0x80  }
0xc4: {  	[sflag:s24] =	ssyncset.done $0x0  }
0xc5: {  	[sflag:s24] =	ssyncadd.s32 $0xFFFFFF80  }
0xc6: {  	_ =	swait.ge [sflag:s24], $0x80  }
0xc7: {  	[sflag:s24] =	ssyncset.done $0x0  }
0xc8: {  	[sflag:s24] =	ssyncadd.s32 $0xFFFFFF80  }
0xc9: {  	_ =	swait.ge [sflag:s24], $0x80  }
0xca: {  	[sflag:s24] =	ssyncset.done $0x0  }
0xcb: {  	[sflag:s24] =	ssyncadd.s32 $0xFFFFFF80  }
0xcc: {  	_ =	swait.ge [sflag:s24], $0x80  }
0xcd: {  	[sflag:s24] =	ssyncset.done $0x0  }
0xce: {  	[sflag:s24] =	ssyncadd.s32 $0xFFFFFF80  }
0xcf: {  	_ =	swait.ge [sflag:s1], $0x4000  }
0xd0: {  	[sflag:s1] =	ssyncset.done $0x0  }
0xd1: {  	[sflag:s1] =	ssyncadd.s32 $0xFFFFC000  }
0xd2: {  	[spmem:s3] =	stream.indirect.scatter.add.f32 [tilespmem:s23], [sflag:$0x4], $0x80, s26, s28, $0xb8;
	[tilespmem:$0x1C400] =	vst v63  }
0xd3: {  	_ =	swait.ge [sflag:s25], $0x4000  }
0xd4: {  	[sflag:s25] =	ssyncset.done $0x0  }
0xd5: {  	s0 =	simm.s32 @p0 $0x2;
	[sflag:s25] =	ssyncadd.s32 $0xFFFFC000  }
0xd6: {  	_ =	swait.ge @p0 [sflag:s0], $0x4000  }
0xd7: {  	s8 =	simm.s32 @p0 $0x280;
	[sflag:s0] =	ssyncset.done @p0 $0x0  }
0xd8: {  	s9 =	simm.s32 @p0 $0x4400;
	[sflag:s0] =	ssyncadd.s32 @p0 $0xFFFFC000;
	s0 =	simm.s32 @p0 $0x80  }
0xd9: {  	[spmem:s3] =	stream.indirect.scatter.add.f32 @p0 [tilespmem:s9], [sflag:$0x4], $0x80, s8, s0, $0xb8;
	[tilespmem:$0x1C400] =	vst v63  }
0xda: {  	s0 =	simm.s32 @!p0 $0x80;
	s8 =	simm.s32 @!p0 $0x100;
	s9 =	simm.s32 @!p0 $0x400  }
0xdb: {  	[tilespmem:s9], [sflag:$0x1] =	stream.indirect.gather @!p0 [hbm4b:s2+s0], $0x80, s8, s0, $0xb8;
	[tilespmem:$0x1C400] =	vst v63  }
0xdc: {  	s8 =	simm.s32 @!p0 $0x2  }
0xdd: {  	_ =	swait.ge @!p0 [sflag:s8], $0x4000  }
0xde: {  	[sflag:s8] =	ssyncset.done @!p0 $0x0  }
0xdf: {  	s10 =	simm.s32 @!p0 $0x4400;
	[sflag:s8] =	ssyncadd.s32 @!p0 $0xFFFFC000;
	s8 =	simm.s32 @!p0 $0x280  }
0xe0: {  	[spmem:s3] =	stream.indirect.scatter.add.f32 @!p0 [tilespmem:s10], [sflag:$0x4], $0x80, s8, s0, $0xb8;
	[tilespmem:$0x1C400] =	vst v63  }
0xe1: {  	s8 =	simm.s32 @!p0 $0x4  }
0xe2: {  	_ =	swait.ge @!p0 [sflag:s8], $0x4000  }
0xe3: {  	[sflag:s8] =	ssyncset.done @!p0 $0x0  }
0xe4: {  	[sflag:s8] =	ssyncadd.s32 @!p0 $0xFFFFC000;
	s8 =	simm.s32 @!p0 $0x1  }
0xe5: {  	_ =	swait.ge @!p0 [sflag:s8], $0x4000  }
0xe6: {  	[sflag:s8] =	ssyncset.done @!p0 $0x0  }
0xe7: {  	[sflag:s8] =	ssyncadd.s32 @!p0 $0xFFFFC000;
	s8 =	simm.s32 @!p0 $0x300  }
0xe8: {  	[spmem:s3] =	stream.indirect.scatter.add.f32 @!p0 [tilespmem:s9], [sflag:$0x4], $0x80, s8, s0, $0xb8;
	[tilespmem:$0x1C400] =	vst v63  }
0xe9: {  	s31 =	sadd.s32 $0x1, s31;
	_ =	swait.ge [sflag:s25], $0x4000  }
0xea: {  	p1 =	sne.s32 s31, s21;
	s16 =	stileid.u32;
	[sflag:s25] =	ssyncset.done $0x0  }
0xeb: {  	s22 =	sshrl.u32 s7, $0x3;
	s0 =	sshll.u32 s16, $0x6;
	[sflag:s25] =	ssyncadd.s32 $0xFFFFC000  }
.Ltmp2:
0xec: {  	s0 =	sor.u32 $0x1C04, s0;
	[bflag:$0x0] =	sbarrier.arrive $0xFFFF;
	(pc) =	sbr.rel @p1 .LBB2_1-.Ltmp2, $4  }
0xed: {  	[hbm:s20], [sflag:s0] =	dma.local [spmem:s22], $0x2800  }
0xee: {  	_ =	swait.ge [sflag:s25], $0x2800  }
0xef: {  	[sflag:s25] =	ssyncset.done $0x0  }
0xf0: {  	[sflag:s25] =	ssyncadd.s32 $0xFFFFD800  }
0xf1: {  	_ =	sfence.sel $0x180000  }
0xf2: {  	[bflag:$0x0] =	sbarrier.arrive $0xFFFF  }
0xf3: {  	_ =	strace $0x9000004A  }
0xf4: {  	s0 =	stileid.u32;
	[bflag:$0x2] =	sbarrier.arrive $0xFFFF  }
0xf5: {  	p0 =	sne.s32 s0, $0x0;
	s0 =	rddreg [dreg:$0x3]  }
0xf6: {  	s0 =	sadd.s32 @!p0 $0x100000, s0  }
0xf7: {  	[sflag:s0] =	ssyncadd.tile.s32 @!p0 $0x1;
	_ =	shalt  }
.Lfunc_end2:
_tile_overlayer_lowered:
.L_overlay_start_2:
0xf8: {  	(tag) =	ssettag $0x2  }
0xf9: {  	s0 =	rddreg [dreg:$0x0];
	s2 =	stileid.u32  }
0xfa: {  	s1 =	rddreg [dreg:$0x1];
	p0 =	sne.s32 s2, $0x0  }
0xfb: {  	s3 =	rddreg [dreg:$0x2];
	[bflag:$0x3] =	sbarrier.arrive $0xFFFF;
	s2 =	simm.s32 @!p0 $0x1C04  }
0xfc: {  	[timem:s3], [sflag:s2] =	dma.local @!p0 [hbm:s0], s1  }
0xfd: {  	s0 =	simm.s32 @!p0 $0x4  }
0xfe: {  	_ =	swait.ge @!p0 [sflag:s0], s1  }
0xff: {  	s1 =	ssub.s32 @!p0 $0x0, s1;
	[sflag:s0] =	ssyncset.done @!p0 $0x0  }
0x100: {  	[sflag:s0] =	ssyncadd.s32 @!p0 s1  }
0x101: {  	[bflag:$0x3] =	sbarrier.arrive $0xFFFF  }
0x102: {  	_ =	shalt  }

</sc_bundles>
